<compile_context>
chip_gen: v7x
topology: tpu7x:2x2x1
jax: 0.10.2.dev20260603
libtpu: 0.0.44.dev20260713+nightly
codegen_flags: <defaults>
</compile_context>

<pallas_src>
import functools

import jax
import jax.numpy as jnp
from jax import lax
from jax.experimental import pallas as pl
from jax.experimental.pallas import tpu as pltpu
from jax.experimental.pallas import tpu_sc as plsc

N_NODES = 10000
H = 128
NC = 2
NS = 16
CHUNK = 128
IBLK = 20

DUMMY_ROW = N_NODES
ZPT = 632
R_ACC = NS * ZPT
OPT = 1000
NOUT_TILES = N_NODES // OPT


def _sc_dual_segment_sum(nblk):
    mesh = plsc.VectorSubcoreMesh(
        core_axis_name="c", subcore_axis_name="s", num_cores=NC, num_subcores=NS
    )

    @functools.partial(
        pl.kernel,
        mesh=mesh,
        out_type=jax.ShapeDtypeStruct((NC, N_NODES, H), jnp.float32),
        scratch_types=[
            pltpu.VMEM((2, IBLK, CHUNK), jnp.int32),
            pltpu.VMEM((CHUNK, H), jnp.float32),
            pltpu.VMEM((CHUNK, H), jnp.float32),
            pltpu.VMEM_SHARED((R_ACC, H), jnp.float32),
            pltpu.SemaphoreType.DMA,
            pltpu.SemaphoreType.DMA,
            pltpu.SemaphoreType.DMA,
            pltpu.SemaphoreType.DMA,
        ],
    )
    def seg_sum(
        tab, idx_all, zrows, out,
        idx_v, rows0, rows1, acc, gs0, gs1, ss0, ss1,
    ):
        cid = lax.axis_index("c")
        tid = lax.axis_index("s")
        rows = (rows0, rows1)
        gsem = (gs0, gs1)
        ssem = (ss0, ss1)
        pltpu.sync_copy(zrows, acc.at[pl.ds(tid * ZPT, ZPT)])
        plsc.subcore_barrier()

        def blk_body(b, carry):
            pltpu.sync_copy(idx_all.at[cid, tid, b], idx_v)
            g = [None, None]
            s = [None, None]
            g[0] = pltpu.async_copy(tab.at[idx_v.at[0, 0]], rows[0], gsem[0])
            for j in range(IBLK):
                cur = j % 2
                nxt = (j + 1) % 2
                if j + 1 < IBLK:
                    if s[nxt] is not None:
                        s[nxt].wait()
                    g[nxt] = pltpu.async_copy(
                        tab.at[idx_v.at[0, j + 1]], rows[nxt], gsem[nxt]
                    )
                g[cur].wait()
                s[cur] = pltpu.async_copy(
                    rows[cur], acc.at[idx_v.at[1, j]], ssem[cur], add=True
                )
            s[0].wait()
            s[1].wait()
            return carry

        lax.fori_loop(0, nblk, blk_body, 0)
        plsc.subcore_barrier()

        @pl.when(tid < NOUT_TILES)
        def _():
            pltpu.sync_copy(
                acc.at[pl.ds(tid * OPT, OPT)], out.at[cid, pl.ds(tid * OPT, OPT)]
            )

    return seg_sum


def _s1_body(x_ref, h_ref, c_ref, wt_ref, ut_ref, biou_ref, bf_ref, m_ref, xwb_ref):
    g = jax.nn.sigmoid(
        jnp.dot(h_ref[...], ut_ref[...], preferred_element_type=jnp.float32)
        + bf_ref[...]
    )
    m_ref[...] = g * c_ref[...]
    xwb_ref[...] = (
        jnp.dot(x_ref[...], wt_ref[...], preferred_element_type=jnp.float32)
        + biou_ref[...]
    )


def _s3_body(xwb_ref, ht_ref, ut_ref, cagg_ref, h_ref, c_ref):
    iou = xwb_ref[...] + jnp.dot(
        ht_ref[...], ut_ref[...], preferred_element_type=jnp.float32
    )
    i = jax.nn.sigmoid(iou[:, :H])
    o = jax.nn.sigmoid(iou[:, H : 2 * H])
    u = jnp.tanh(iou[:, 2 * H :])
    c_new = i * u + cagg_ref[...]
    c_ref[...] = c_new
    h_ref[...] = o * jnp.tanh(c_new)


_ROWB = 1000


def kernel(x, h, c, edge_index, W_iou, U_iou, b_iou, U_f_w, U_f_b):
    n = x.shape[0]
    e = edge_index.shape[1]
    grid = (n // _ROWB,)

    m, xwb = pl.pallas_call(
        _s1_body,
        grid=grid,
        in_specs=[
            pl.BlockSpec((_ROWB, H), lambda i: (i, 0)),
            pl.BlockSpec((_ROWB, H), lambda i: (i, 0)),
            pl.BlockSpec((_ROWB, H), lambda i: (i, 0)),
            pl.BlockSpec((H, 3 * H), lambda i: (0, 0)),
            pl.BlockSpec((H, H), lambda i: (0, 0)),
            pl.BlockSpec((1, 3 * H), lambda i: (0, 0)),
            pl.BlockSpec((1, H), lambda i: (0, 0)),
        ],
        out_specs=[
            pl.BlockSpec((_ROWB, H), lambda i: (i, 0)),
            pl.BlockSpec((_ROWB, 3 * H), lambda i: (i, 0)),
        ],
        out_shape=[
            jax.ShapeDtypeStruct((n, H), jnp.float32),
            jax.ShapeDtypeStruct((n, 3 * H), jnp.float32),
        ],
    )(x, h, c, W_iou.T, U_f_w.T, b_iou, U_f_b.reshape(1, H))

    ei = edge_index.astype(jnp.int32)
    src, dst = ei[0], ei[1]
    nblk = -(-e // (NS * IBLK * CHUNK))
    e_pad = NS * nblk * IBLK * CHUNK
    src_p = jnp.concatenate([src, jnp.zeros((e_pad - e,), jnp.int32)])
    dst_p = jnp.concatenate([dst, jnp.full((e_pad - e,), DUMMY_ROW, jnp.int32)])
    src4 = src_p.reshape(NS, nblk, IBLK, CHUNK)
    dst4 = dst_p.reshape(NS, nblk, IBLK, CHUNK)
    idx_all = jnp.stack(
        [
            jnp.stack([src4, dst4], axis=2),
            jnp.stack([src4 + n, dst4], axis=2),
        ]
    )
    tab = jnp.concatenate([h, m], axis=0)
    zrows = jnp.zeros((ZPT, H), jnp.float32)

    agg = _sc_dual_segment_sum(nblk)(tab, idx_all, zrows)
    h_tild, c_agg = agg[0], agg[1]

    h_new, c_new = pl.pallas_call(
        _s3_body,
        grid=grid,
        in_specs=[
            pl.BlockSpec((_ROWB, 3 * H), lambda i: (i, 0)),
            pl.BlockSpec((_ROWB, H), lambda i: (i, 0)),
            pl.BlockSpec((H, 3 * H), lambda i: (0, 0)),
            pl.BlockSpec((_ROWB, H), lambda i: (i, 0)),
        ],
        out_specs=[
            pl.BlockSpec((_ROWB, H), lambda i: (i, 0)),
            pl.BlockSpec((_ROWB, H), lambda i: (i, 0)),
        ],
        out_shape=[
            jax.ShapeDtypeStruct((n, H), jnp.float32),
            jax.ShapeDtypeStruct((n, H), jnp.float32),
        ],
    )(xwb, h_tild, U_iou.T, c_agg)
    return (h_new, c_new)

# --- scband reference (transcript-rebuilt; emitter-appended) ---
"""Pipeline reference for scband-tree-lstm-39170101739913 (READ-ONLY COPY).

The authoritative reference and input builder live on the scoring server;
editing this copy changes nothing except your own understanding.
"""

import jax, jax.numpy as jnp
import numpy as np

N = 10000
E = 320000
X_SIZE = 128
H_SIZE = 128


def setup_inputs(seed: int = 0) -> dict:
    key = jax.random.key(seed)
    ks = jax.random.split(key, 10)
    x = jax.random.normal(ks[0], (N, X_SIZE), dtype=jnp.float32)
    h = jax.random.normal(ks[1], (N, H_SIZE), dtype=jnp.float32)
    c = jax.random.normal(ks[2], (N, H_SIZE), dtype=jnp.float32)
    edge_index = jax.random.randint(ks[3], (2, E), 0, N, dtype=jnp.int64)
    W_iou = jax.random.normal(ks[4], (3 * H_SIZE, X_SIZE), dtype=jnp.float32) * 0.05
    U_iou = jax.random.normal(ks[5], (3 * H_SIZE, H_SIZE), dtype=jnp.float32) * 0.05
    b_iou = jnp.zeros((1, 3 * H_SIZE), dtype=jnp.float32)
    U_f_w = jax.random.normal(ks[6], (H_SIZE, H_SIZE), dtype=jnp.float32) * 0.05
    U_f_b = jnp.zeros((H_SIZE,), dtype=jnp.float32)
    return {"x": x, "h": h, "c": c, "edge_index": edge_index,
            "W_iou": W_iou, "U_iou": U_iou, "b_iou": b_iou,
            "U_f_w": U_f_w, "U_f_b": U_f_b}


def reference(x, h, c, edge_index, W_iou, U_iou, b_iou, U_f_w, U_f_b):
    # ChildSumTreeLSTMCell, one round of message passing flattened over edges.
    src = edge_index[0]
    dst = edge_index[1]
    # message_func: gather child states
    h_src = jnp.take(h, src, axis=0)          # [E, H]
    c_src = jnp.take(c, src, axis=0)          # [E, H]
    # reduce_func: per-child forget gate f = sigmoid(U_f(h_child)), then
    # h_tild = sum_children h, c = sum_children f * c  (segment sums over dst)
    f = jax.nn.sigmoid(h_src @ U_f_w.T + U_f_b)  # [E, H]
    h_tild = jax.ops.segment_sum(h_src, dst, num_segments=N)       # [N, H]
    c_agg = jax.ops.segment_sum(f * c_src, dst, num_segments=N)    # [N, H]
    # iou = W_iou(x) + U_iou(h_tild)
    iou = x @ W_iou.T + h_tild @ U_iou.T
    # apply_node_func
    iou = iou + b_iou
    i, o, u = jnp.split(iou, 3, axis=1)
    i = jax.nn.sigmoid(i)
    o = jax.nn.sigmoid(o)
    u = jnp.tanh(u)
    c_new = i * u + c_agg
    h_new = o * jnp.tanh(c_new)
    return (h_new, c_new)

if __name__ == "__main__":
    import jax
    _d = setup_inputs()
    print(jax.jit(kernel)(*tuple(_d.values())))

</pallas_src>

<mosaic_0001>
#map = affine_map<(d0, d1) -> (0, 0)>
#map1 = affine_map<(d0, d1) -> (0, 0, 0, 0, 0, 0)>
#map2 = affine_map<(d0, d1) -> (0, 0, 0)>
module attributes {stable_mosaic.version = 14 : i64} {
  func.func @seg_sum(%arg0: i32, %arg1: i32, %arg2: memref<20000x128xf32, #tpu.memory_space<hbm>>, %arg3: memref<2x16x8x2x20x128xi32, #tpu.memory_space<hbm>>, %arg4: memref<632x128xf32, #tpu.memory_space<hbm>>, %arg5: memref<2x10000x128xf32, #tpu.memory_space<hbm>>, %arg6: memref<2x20x128xi32, #tpu.memory_space<vmem>>, %arg7: memref<128x128xf32, #tpu.memory_space<vmem>>, %arg8: memref<128x128xf32, #tpu.memory_space<vmem>>, %arg9: memref<10112x128xf32, #tpu.memory_space<vmem_shared>>, %arg10: memref<!tpu.dma_semaphore, #tpu.memory_space<semaphore_mem>>, %arg11: memref<!tpu.dma_semaphore, #tpu.memory_space<semaphore_mem>>, %arg12: memref<!tpu.dma_semaphore, #tpu.memory_space<semaphore_mem>>, %arg13: memref<!tpu.dma_semaphore, #tpu.memory_space<semaphore_mem>>) attributes {dimension_semantics = [#tpu.dimension_semantics<core_parallel>, #tpu.dimension_semantics<subcore_parallel>], iteration_bounds = array<i64: 2, 16>, scalar_prefetch = 0 : i64, scratch_operands = 8 : i64, tpu.core_type = #tpu.core_type<sc_vector_subcore>, window_params = [{transform_indices = #map}, {transform_indices = #map1}, {transform_indices = #map}, {transform_indices = #map2}]} {
    %mul3A = arith.constant 632 : i32
    %mul3A_0 = arith.muli %arg1, %mul3A : i32
    "tpu.region"() ({
      %run_scoped3A = tpu.sem_alloc : memref<!tpu.dma_semaphore, #tpu.memory_space<semaphore_mem>>
      %dma_start3A = arith.constant 0 : i32
      %dma_start3A_9 = tpu.memref_slice %arg9[%mul3A_0, %dma_start3A] : memref<10112x128xf32, #tpu.memory_space<vmem_shared>> -> memref<632x128xf32, #tpu.memory_space<vmem_shared>>
      tpu.enqueue_dma source(%arg4 : memref<632x128xf32, #tpu.memory_space<hbm>>) target(%dma_start3A_9 : memref<632x128xf32, #tpu.memory_space<vmem_shared>>) target_semaphore(%run_scoped3A : memref<!tpu.dma_semaphore, #tpu.memory_space<semaphore_mem>>)
      %dma_wait3A = arith.constant 0 : i32
      %dma_wait3A_10 = tpu.memref_slice %arg9[%mul3A_0, %dma_wait3A] : memref<10112x128xf32, #tpu.memory_space<vmem_shared>> -> memref<632x128xf32, #tpu.memory_space<vmem_shared>>
      tpu.wait_dma2 semaphore(%run_scoped3A : memref<!tpu.dma_semaphore, #tpu.memory_space<semaphore_mem>>) src(%arg4 : memref<632x128xf32, #tpu.memory_space<hbm>>) dst(%dma_wait3A_10 : memref<632x128xf32, #tpu.memory_space<vmem_shared>>)
      tpu.yield
    }) : () -> ()
    %barrier3A = arith.constant 0 : index
    tpu.barrier barrier_id(%barrier3A)
    %scan3A = arith.constant 0 : i32
    %scan3A_1 = arith.constant 0 : i32
    %scan3A_2 = arith.constant 8 : i32
    %scan3A_3 = arith.addi %scan3A_1, %scan3A_2 : i32
    %scan3A_4 = arith.constant 1 : i32
    scf.for %scan3A_9 = %scan3A_1 to %scan3A_3 step %scan3A_4  : i32 {
      "tpu.region"() ({
        %run_scoped3A = tpu.sem_alloc : memref<!tpu.dma_semaphore, #tpu.memory_space<semaphore_mem>>
        %dma_start3A_648 = arith.constant 0 : i32
        %dma_start3A_649 = arith.constant 0 : i32
        %dma_start3A_650 = arith.constant 0 : i32
        %dma_start3A_651 = tpu.memref_slice %arg3[%arg0, %arg1, %scan3A_9, %dma_start3A_648, %dma_start3A_649, %dma_start3A_650] : memref<2x16x8x2x20x128xi32, #tpu.memory_space<hbm>> -> memref<1x1x1x2x20x128xi32, #tpu.memory_space<hbm>>
        %dma_start3A_652 = tpu.memref_squeeze %dma_start3A_651 : memref<1x1x1x2x20x128xi32, #tpu.memory_space<hbm>> -> memref<2x20x128xi32, #tpu.memory_space<hbm>>
        %dma_start3A_653 = arith.constant 0 : i32
        %dma_start3A_654 = arith.constant 0 : i32
        %dma_start3A_655 = arith.constant 0 : i32
        %dma_start3A_656 = tpu.memref_slice %arg3[%arg0, %arg1, %scan3A_9, %dma_start3A_653, %dma_start3A_654, %dma_start3A_655] : memref<2x16x8x2x20x128xi32, #tpu.memory_space<hbm>> -> memref<1x1x1x2x20x128xi32, #tpu.memory_space<hbm>>
        %dma_start3A_657 = tpu.memref_squeeze %dma_start3A_656 : memref<1x1x1x2x20x128xi32, #tpu.memory_space<hbm>> -> memref<2x20x128xi32, #tpu.memory_space<hbm>>
        tpu.enqueue_dma source(%dma_start3A_657 : memref<2x20x128xi32, #tpu.memory_space<hbm>>) target(%arg6 : memref<2x20x128xi32, #tpu.memory_space<vmem>>) target_semaphore(%run_scoped3A : memref<!tpu.dma_semaphore, #tpu.memory_space<semaphore_mem>>)
        %dma_wait3A_658 = arith.constant 0 : i32
        %dma_wait3A_659 = arith.constant 0 : i32
        %dma_wait3A_660 = arith.constant 0 : i32
        %dma_wait3A_661 = tpu.memref_slice %arg3[%arg0, %arg1, %scan3A_9, %dma_wait3A_658, %dma_wait3A_659, %dma_wait3A_660] : memref<2x16x8x2x20x128xi32, #tpu.memory_space<hbm>> -> memref<1x1x1x2x20x128xi32, #tpu.memory_space<hbm>>
        %dma_wait3A_662 = tpu.memref_squeeze %dma_wait3A_661 : memref<1x1x1x2x20x128xi32, #tpu.memory_space<hbm>> -> memref<2x20x128xi32, #tpu.memory_space<hbm>>
        %dma_wait3A_663 = arith.constant 0 : i32
        %dma_wait3A_664 = arith.constant 0 : i32
        %dma_wait3A_665 = arith.constant 0 : i32
        %dma_wait3A_666 = tpu.memref_slice %arg3[%arg0, %arg1, %scan3A_9, %dma_wait3A_663, %dma_wait3A_664, %dma_wait3A_665] : memref<2x16x8x2x20x128xi32, #tpu.memory_space<hbm>> -> memref<1x1x1x2x20x128xi32, #tpu.memory_space<hbm>>
        %dma_wait3A_667 = tpu.memref_squeeze %dma_wait3A_666 : memref<1x1x1x2x20x128xi32, #tpu.memory_space<hbm>> -> memref<2x20x128xi32, #tpu.memory_space<hbm>>
        tpu.wait_dma2 semaphore(%run_scoped3A : memref<!tpu.dma_semaphore, #tpu.memory_space<semaphore_mem>>) src(%dma_wait3A_667 : memref<2x20x128xi32, #tpu.memory_space<hbm>>) dst(%arg6 : memref<2x20x128xi32, #tpu.memory_space<vmem>>)
        tpu.yield
      }) : () -> ()
      %dma_start3A = arith.constant 0 : i32
      %dma_start3A_10 = arith.constant 0 : i32
      %dma_start3A_11 = arith.constant 0 : i32
      %dma_start3A_12 = tpu.memref_slice %arg6[%dma_start3A, %dma_start3A_10, %dma_start3A_11] : memref<2x20x128xi32, #tpu.memory_space<vmem>> -> memref<1x1x128xi32, #tpu.memory_space<vmem>>
      %dma_start3A_13 = tpu.memref_squeeze %dma_start3A_12 : memref<1x1x128xi32, #tpu.memory_space<vmem>> -> memref<128xi32, #tpu.memory_space<vmem>>
      %dma_start3A_14 = arith.constant 0 : i32
      %dma_start3A_15 = arith.constant 0 : i32
      %dma_start3A_16 = tpu.memref_slice %arg2[%dma_start3A_14, %dma_start3A_15] : memref<20000x128xf32, #tpu.memory_space<hbm>> -> memref<20000x128xf32, #tpu.memory_space<hbm>>
      tpu.enqueue_indirect_dma source(%dma_start3A_16 : memref<20000x128xf32, #tpu.memory_space<hbm>>) target(%arg7 : memref<128x128xf32, #tpu.memory_space<vmem>>) offsets(%dma_start3A_13 : memref<128xi32, #tpu.memory_space<vmem>>) semaphore(%arg10 : memref<!tpu.dma_semaphore, #tpu.memory_space<semaphore_mem>>)
      %dma_start3A_17 = arith.constant 0 : i32
      %dma_start3A_18 = arith.constant 1 : i32
      %dma_start3A_19 = arith.constant 0 : i32
      %dma_start3A_20 = tpu.memref_slice %arg6[%dma_start3A_17, %dma_start3A_18, %dma_start3A_19] : memref<2x20x128xi32, #tpu.memory_space<vmem>> -> memref<1x1x128xi32, #tpu.memory_space<vmem>>
      %dma_start3A_21 = tpu.memref_squeeze %dma_start3A_20 : memref<1x1x128xi32, #tpu.memory_space<vmem>> -> memref<128xi32, #tpu.memory_space<vmem>>
      %dma_start3A_22 = arith.constant 0 : i32
      %dma_start3A_23 = arith.constant 0 : i32
      %dma_start3A_24 = tpu.memref_slice %arg2[%dma_start3A_22, %dma_start3A_23] : memref<20000x128xf32, #tpu.memory_space<hbm>> -> memref<20000x128xf32, #tpu.memory_space<hbm>>
      tpu.enqueue_indirect_dma source(%dma_start3A_24 : memref<20000x128xf32, #tpu.memory_space<hbm>>) target(%arg8 : memref<128x128xf32, #tpu.memory_space<vmem>>) offsets(%dma_start3A_21 : memref<128xi32, #tpu.memory_space<vmem>>) semaphore(%arg11 : memref<!tpu.dma_semaphore, #tpu.memory_space<semaphore_mem>>)
      %dma_wait3A = arith.constant 0 : i32
      %dma_wait3A_25 = arith.constant 0 : i32
      %dma_wait3A_26 = arith.constant 0 : i32
      %dma_wait3A_27 = tpu.memref_slice %arg6[%dma_wait3A, %dma_wait3A_25, %dma_wait3A_26] : memref<2x20x128xi32, #tpu.memory_space<vmem>> -> memref<1x1x128xi32, #tpu.memory_space<vmem>>
      %dma_wait3A_28 = tpu.memref_squeeze %dma_wait3A_27 : memref<1x1x128xi32, #tpu.memory_space<vmem>> -> memref<128xi32, #tpu.memory_space<vmem>>
      %dma_wait3A_29 = arith.constant 0 : i32
      %dma_wait3A_30 = arith.constant 0 : i32
      %dma_wait3A_31 = tpu.memref_slice %arg2[%dma_wait3A_29, %dma_wait3A_30] : memref<20000x128xf32, #tpu.memory_space<hbm>> -> memref<20000x128xf32, #tpu.memory_space<hbm>>
      tpu.wait_indirect_dma semaphore(%arg10 : memref<!tpu.dma_semaphore, #tpu.memory_space<semaphore_mem>>) src(%dma_wait3A_31 : memref<20000x128xf32, #tpu.memory_space<hbm>>) dst(%arg7 : memref<128x128xf32, #tpu.memory_space<vmem>>)
      %dma_start3A_32 = arith.constant 1 : i32
      %dma_start3A_33 = arith.constant 0 : i32
      %dma_start3A_34 = arith.constant 0 : i32
      %dma_start3A_35 = tpu.memref_slice %arg6[%dma_start3A_32, %dma_start3A_33, %dma_start3A_34] : memref<2x20x128xi32, #tpu.memory_space<vmem>> -> memref<1x1x128xi32, #tpu.memory_space<vmem>>
      %dma_start3A_36 = tpu.memref_squeeze %dma_start3A_35 : memref<1x1x128xi32, #tpu.memory_space<vmem>> -> memref<128xi32, #tpu.memory_space<vmem>>
      %dma_start3A_37 = arith.constant 0 : i32
      %dma_start3A_38 = arith.constant 0 : i32
      %dma_start3A_39 = tpu.memref_slice %arg9[%dma_start3A_37, %dma_start3A_38] : memref<10112x128xf32, #tpu.memory_space<vmem_shared>> -> memref<10112x128xf32, #tpu.memory_space<vmem_shared>>
      tpu.enqueue_indirect_dma source(%arg7 : memref<128x128xf32, #tpu.memory_space<vmem>>) target(%dma_start3A_39 : memref<10112x128xf32, #tpu.memory_space<vmem_shared>>) offsets(%dma_start3A_36 : memref<128xi32, #tpu.memory_space<vmem>>) semaphore(%arg12 : memref<!tpu.dma_semaphore, #tpu.memory_space<semaphore_mem>>) {add = true}
      %dma_wait3A_40 = arith.constant 1 : i32
      %dma_wait3A_41 = arith.constant 0 : i32
      %dma_wait3A_42 = arith.constant 0 : i32
      %dma_wait3A_43 = tpu.memref_slice %arg6[%dma_wait3A_40, %dma_wait3A_41, %dma_wait3A_42] : memref<2x20x128xi32, #tpu.memory_space<vmem>> -> memref<1x1x128xi32, #tpu.memory_space<vmem>>
      %dma_wait3A_44 = tpu.memref_squeeze %dma_wait3A_43 : memref<1x1x128xi32, #tpu.memory_space<vmem>> -> memref<128xi32, #tpu.memory_space<vmem>>
      %dma_wait3A_45 = arith.constant 0 : i32
      %dma_wait3A_46 = arith.constant 0 : i32
      %dma_wait3A_47 = tpu.memref_slice %arg9[%dma_wait3A_45, %dma_wait3A_46] : memref<10112x128xf32, #tpu.memory_space<vmem_shared>> -> memref<10112x128xf32, #tpu.memory_space<vmem_shared>>
      tpu.wait_indirect_dma semaphore(%arg12 : memref<!tpu.dma_semaphore, #tpu.memory_space<semaphore_mem>>) src(%arg7 : memref<128x128xf32, #tpu.memory_space<vmem>>) dst(%dma_wait3A_47 : memref<10112x128xf32, #tpu.memory_space<vmem_shared>>)
      %dma_start3A_48 = arith.constant 0 : i32
      %dma_start3A_49 = arith.constant 2 : i32
      %dma_start3A_50 = arith.constant 0 : i32
      %dma_start3A_51 = tpu.memref_slice %arg6[%dma_start3A_48, %dma_start3A_49, %dma_start3A_50] : memref<2x20x128xi32, #tpu.memory_space<vmem>> -> memref<1x1x128xi32, #tpu.memory_space<vmem>>
      %dma_start3A_52 = tpu.memref_squeeze %dma_start3A_51 : memref<1x1x128xi32, #tpu.memory_space<vmem>> -> memref<128xi32, #tpu.memory_space<vmem>>
      %dma_start3A_53 = arith.constant 0 : i32
      %dma_start3A_54 = arith.constant 0 : i32
      %dma_start3A_55 = tpu.memref_slice %arg2[%dma_start3A_53, %dma_start3A_54] : memref<20000x128xf32, #tpu.memory_space<hbm>> -> memref<20000x128xf32, #tpu.memory_space<hbm>>
      tpu.enqueue_indirect_dma source(%dma_start3A_55 : memref<20000x128xf32, #tpu.memory_space<hbm>>) target(%arg7 : memref<128x128xf32, #tpu.memory_space<vmem>>) offsets(%dma_start3A_52 : memref<128xi32, #tpu.memory_space<vmem>>) semaphore(%arg10 : memref<!tpu.dma_semaphore, #tpu.memory_space<semaphore_mem>>)
      %dma_wait3A_56 = arith.constant 0 : i32
      %dma_wait3A_57 = arith.constant 1 : i32
      %dma_wait3A_58 = arith.constant 0 : i32
      %dma_wait3A_59 = tpu.memref_slice %arg6[%dma_wait3A_56, %dma_wait3A_57, %dma_wait3A_58] : memref<2x20x128xi32, #tpu.memory_space<vmem>> -> memref<1x1x128xi32, #tpu.memory_space<vmem>>
      %dma_wait3A_60 = tpu.memref_squeeze %dma_wait3A_59 : memref<1x1x128xi32, #tpu.memory_space<vmem>> -> memref<128xi32, #tpu.memory_space<vmem>>
      %dma_wait3A_61 = arith.constant 0 : i32
      %dma_wait3A_62 = arith.constant 0 : i32
      %dma_wait3A_63 = tpu.memref_slice %arg2[%dma_wait3A_61, %dma_wait3A_62] : memref<20000x128xf32, #tpu.memory_space<hbm>> -> memref<20000x128xf32, #tpu.memory_space<hbm>>
      tpu.wait_indirect_dma semaphore(%arg11 : memref<!tpu.dma_semaphore, #tpu.memory_space<semaphore_mem>>) src(%dma_wait3A_63 : memref<20000x128xf32, #tpu.memory_space<hbm>>) dst(%arg8 : memref<128x128xf32, #tpu.memory_space<vmem>>)
      %dma_start3A_64 = arith.constant 1 : i32
      %dma_start3A_65 = arith.constant 1 : i32
      %dma_start3A_66 = arith.constant 0 : i32
      %dma_start3A_67 = tpu.memref_slice %arg6[%dma_start3A_64, %dma_start3A_65, %dma_start3A_66] : memref<2x20x128xi32, #tpu.memory_space<vmem>> -> memref<1x1x128xi32, #tpu.memory_space<vmem>>
      %dma_start3A_68 = tpu.memref_squeeze %dma_start3A_67 : memref<1x1x128xi32, #tpu.memory_space<vmem>> -> memref<128xi32, #tpu.memory_space<vmem>>
      %dma_start3A_69 = arith.constant 0 : i32
      %dma_start3A_70 = arith.constant 0 : i32
      %dma_start3A_71 = tpu.memref_slice %arg9[%dma_start3A_69, %dma_start3A_70] : memref<10112x128xf32, #tpu.memory_space<vmem_shared>> -> memref<10112x128xf32, #tpu.memory_space<vmem_shared>>
      tpu.enqueue_indirect_dma source(%arg8 : memref<128x128xf32, #tpu.memory_space<vmem>>) target(%dma_start3A_71 : memref<10112x128xf32, #tpu.memory_space<vmem_shared>>) offsets(%dma_start3A_68 : memref<128xi32, #tpu.memory_space<vmem>>) semaphore(%arg13 : memref<!tpu.dma_semaphore, #tpu.memory_space<semaphore_mem>>) {add = true}
      %dma_wait3A_72 = arith.constant 1 : i32
      %dma_wait3A_73 = arith.constant 1 : i32
      %dma_wait3A_74 = arith.constant 0 : i32
      %dma_wait3A_75 = tpu.memref_slice %arg6[%dma_wait3A_72, %dma_wait3A_73, %dma_wait3A_74] : memref<2x20x128xi32, #tpu.memory_space<vmem>> -> memref<1x1x128xi32, #tpu.memory_space<vmem>>
      %dma_wait3A_76 = tpu.memref_squeeze %dma_wait3A_75 : memref<1x1x128xi32, #tpu.memory_space<vmem>> -> memref<128xi32, #tpu.memory_space<vmem>>
      %dma_wait3A_77 = arith.constant 0 : i32
      %dma_wait3A_78 = arith.constant 0 : i32
      %dma_wait3A_79 = tpu.memref_slice %arg9[%dma_wait3A_77, %dma_wait3A_78] : memref<10112x128xf32, #tpu.memory_space<vmem_shared>> -> memref<10112x128xf32, #tpu.memory_space<vmem_shared>>
      tpu.wait_indirect_dma semaphore(%arg13 : memref<!tpu.dma_semaphore, #tpu.memory_space<semaphore_mem>>) src(%arg8 : memref<128x128xf32, #tpu.memory_space<vmem>>) dst(%dma_wait3A_79 : memref<10112x128xf32, #tpu.memory_space<vmem_shared>>)
      %dma_start3A_80 = arith.constant 0 : i32
      %dma_start3A_81 = arith.constant 3 : i32
      %dma_start3A_82 = arith.constant 0 : i32
      %dma_start3A_83 = tpu.memref_slice %arg6[%dma_start3A_80, %dma_start3A_81, %dma_start3A_82] : memref<2x20x128xi32, #tpu.memory_space<vmem>> -> memref<1x1x128xi32, #tpu.memory_space<vmem>>
      %dma_start3A_84 = tpu.memref_squeeze %dma_start3A_83 : memref<1x1x128xi32, #tpu.memory_space<vmem>> -> memref<128xi32, #tpu.memory_space<vmem>>
      %dma_start3A_85 = arith.constant 0 : i32
      %dma_start3A_86 = arith.constant 0 : i32
      %dma_start3A_87 = tpu.memref_slice %arg2[%dma_start3A_85, %dma_start3A_86] : memref<20000x128xf32, #tpu.memory_space<hbm>> -> memref<20000x128xf32, #tpu.memory_space<hbm>>
      tpu.enqueue_indirect_dma source(%dma_start3A_87 : memref<20000x128xf32, #tpu.memory_space<hbm>>) target(%arg8 : memref<128x128xf32, #tpu.memory_space<vmem>>) offsets(%dma_start3A_84 : memref<128xi32, #tpu.memory_space<vmem>>) semaphore(%arg11 : memref<!tpu.dma_semaphore, #tpu.memory_space<semaphore_mem>>)
      %dma_wait3A_88 = arith.constant 0 : i32
      %dma_wait3A_89 = arith.constant 2 : i32
      %dma_wait3A_90 = arith.constant 0 : i32
      %dma_wait3A_91 = tpu.memref_slice %arg6[%dma_wait3A_88, %dma_wait3A_89, %dma_wait3A_90] : memref<2x20x128xi32, #tpu.memory_space<vmem>> -> memref<1x1x128xi32, #tpu.memory_space<vmem>>
      %dma_wait3A_92 = tpu.memref_squeeze %dma_wait3A_91 : memref<1x1x128xi32, #tpu.memory_space<vmem>> -> memref<128xi32, #tpu.memory_space<vmem>>
      %dma_wait3A_93 = arith.constant 0 : i32
      %dma_wait3A_94 = arith.constant 0 : i32
      %dma_wait3A_95 = tpu.memref_slice %arg2[%dma_wait3A_93, %dma_wait3A_94] : memref<20000x128xf32, #tpu.memory_space<hbm>> -> memref<20000x128xf32, #tpu.memory_space<hbm>>
      tpu.wait_indirect_dma semaphore(%arg10 : memref<!tpu.dma_semaphore, #tpu.memory_space<semaphore_mem>>) src(%dma_wait3A_95 : memref<20000x128xf32, #tpu.memory_space<hbm>>) dst(%arg7 : memref<128x128xf32, #tpu.memory_space<vmem>>)
      %dma_start3A_96 = arith.constant 1 : i32
      %dma_start3A_97 = arith.constant 2 : i32
      %dma_start3A_98 = arith.constant 0 : i32
      %dma_start3A_99 = tpu.memref_slice %arg6[%dma_start3A_96, %dma_start3A_97, %dma_start3A_98] : memref<2x20x128xi32, #tpu.memory_space<vmem>> -> memref<1x1x128xi32, #tpu.memory_space<vmem>>
      %dma_start3A_100 = tpu.memref_squeeze %dma_start3A_99 : memref<1x1x128xi32, #tpu.memory_space<vmem>> -> memref<128xi32, #tpu.memory_space<vmem>>
      %dma_start3A_101 = arith.constant 0 : i32
      %dma_start3A_102 = arith.constant 0 : i32
      %dma_start3A_103 = tpu.memref_slice %arg9[%dma_start3A_101, %dma_start3A_102] : memref<10112x128xf32, #tpu.memory_space<vmem_shared>> -> memref<10112x128xf32, #tpu.memory_space<vmem_shared>>
      tpu.enqueue_indirect_dma source(%arg7 : memref<128x128xf32, #tpu.memory_space<vmem>>) target(%dma_start3A_103 : memref<10112x128xf32, #tpu.memory_space<vmem_shared>>) offsets(%dma_start3A_100 : memref<128xi32, #tpu.memory_space<vmem>>) semaphore(%arg12 : memref<!tpu.dma_semaphore, #tpu.memory_space<semaphore_mem>>) {add = true}
      %dma_wait3A_104 = arith.constant 1 : i32
      %dma_wait3A_105 = arith.constant 2 : i32
      %dma_wait3A_106 = arith.constant 0 : i32
      %dma_wait3A_107 = tpu.memref_slice %arg6[%dma_wait3A_104, %dma_wait3A_105, %dma_wait3A_106] : memref<2x20x128xi32, #tpu.memory_space<vmem>> -> memref<1x1x128xi32, #tpu.memory_space<vmem>>
      %dma_wait3A_108 = tpu.memref_squeeze %dma_wait3A_107 : memref<1x1x128xi32, #tpu.memory_space<vmem>> -> memref<128xi32, #tpu.memory_space<vmem>>
      %dma_wait3A_109 = arith.constant 0 : i32
      %dma_wait3A_110 = arith.constant 0 : i32
      %dma_wait3A_111 = tpu.memref_slice %arg9[%dma_wait3A_109, %dma_wait3A_110] : memref<10112x128xf32, #tpu.memory_space<vmem_shared>> -> memref<10112x128xf32, #tpu.memory_space<vmem_shared>>
      tpu.wait_indirect_dma semaphore(%arg12 : memref<!tpu.dma_semaphore, #tpu.memory_space<semaphore_mem>>) src(%arg7 : memref<128x128xf32, #tpu.memory_space<vmem>>) dst(%dma_wait3A_111 : memref<10112x128xf32, #tpu.memory_space<vmem_shared>>)
      %dma_start3A_112 = arith.constant 0 : i32
      %dma_start3A_113 = arith.constant 4 : i32
      %dma_start3A_114 = arith.constant 0 : i32
      %dma_start3A_115 = tpu.memref_slice %arg6[%dma_start3A_112, %dma_start3A_113, %dma_start3A_114] : memref<2x20x128xi32, #tpu.memory_space<vmem>> -> memref<1x1x128xi32, #tpu.memory_space<vmem>>
      %dma_start3A_116 = tpu.memref_squeeze %dma_start3A_115 : memref<1x1x128xi32, #tpu.memory_space<vmem>> -> memref<128xi32, #tpu.memory_space<vmem>>
      %dma_start3A_117 = arith.constant 0 : i32
      %dma_start3A_118 = arith.constant 0 : i32
      %dma_start3A_119 = tpu.memref_slice %arg2[%dma_start3A_117, %dma_start3A_118] : memref<20000x128xf32, #tpu.memory_space<hbm>> -> memref<20000x128xf32, #tpu.memory_space<hbm>>
      tpu.enqueue_indirect_dma source(%dma_start3A_119 : memref<20000x128xf32, #tpu.memory_space<hbm>>) target(%arg7 : memref<128x128xf32, #tpu.memory_space<vmem>>) offsets(%dma_start3A_116 : memref<128xi32, #tpu.memory_space<vmem>>) semaphore(%arg10 : memref<!tpu.dma_semaphore, #tpu.memory_space<semaphore_mem>>)
      %dma_wait3A_120 = arith.constant 0 : i32
      %dma_wait3A_121 = arith.constant 3 : i32
      %dma_wait3A_122 = arith.constant 0 : i32
      %dma_wait3A_123 = tpu.memref_slice %arg6[%dma_wait3A_120, %dma_wait3A_121, %dma_wait3A_122] : memref<2x20x128xi32, #tpu.memory_space<vmem>> -> memref<1x1x128xi32, #tpu.memory_space<vmem>>
      %dma_wait3A_124 = tpu.memref_squeeze %dma_wait3A_123 : memref<1x1x128xi32, #tpu.memory_space<vmem>> -> memref<128xi32, #tpu.memory_space<vmem>>
      %dma_wait3A_125 = arith.constant 0 : i32
      %dma_wait3A_126 = arith.constant 0 : i32
      %dma_wait3A_127 = tpu.memref_slice %arg2[%dma_wait3A_125, %dma_wait3A_126] : memref<20000x128xf32, #tpu.memory_space<hbm>> -> memref<20000x128xf32, #tpu.memory_space<hbm>>
      tpu.wait_indirect_dma semaphore(%arg11 : memref<!tpu.dma_semaphore, #tpu.memory_space<semaphore_mem>>) src(%dma_wait3A_127 : memref<20000x128xf32, #tpu.memory_space<hbm>>) dst(%arg8 : memref<128x128xf32, #tpu.memory_space<vmem>>)
      %dma_start3A_128 = arith.constant 1 : i32
      %dma_start3A_129 = arith.constant 3 : i32
      %dma_start3A_130 = arith.constant 0 : i32
      %dma_start3A_131 = tpu.memref_slice %arg6[%dma_start3A_128, %dma_start3A_129, %dma_start3A_130] : memref<2x20x128xi32, #tpu.memory_space<vmem>> -> memref<1x1x128xi32, #tpu.memory_space<vmem>>
      %dma_start3A_132 = tpu.memref_squeeze %dma_start3A_131 : memref<1x1x128xi32, #tpu.memory_space<vmem>> -> memref<128xi32, #tpu.memory_space<vmem>>
      %dma_start3A_133 = arith.constant 0 : i32
      %dma_start3A_134 = arith.constant 0 : i32
      %dma_start3A_135 = tpu.memref_slice %arg9[%dma_start3A_133, %dma_start3A_134] : memref<10112x128xf32, #tpu.memory_space<vmem_shared>> -> memref<10112x128xf32, #tpu.memory_space<vmem_shared>>
      tpu.enqueue_indirect_dma source(%arg8 : memref<128x128xf32, #tpu.memory_space<vmem>>) target(%dma_start3A_135 : memref<10112x128xf32, #tpu.memory_space<vmem_shared>>) offsets(%dma_start3A_132 : memref<128xi32, #tpu.memory_space<vmem>>) semaphore(%arg13 : memref<!tpu.dma_semaphore, #tpu.memory_space<semaphore_mem>>) {add = true}
      %dma_wait3A_136 = arith.constant 1 : i32
      %dma_wait3A_137 = arith.constant 3 : i32
      %dma_wait3A_138 = arith.constant 0 : i32
      %dma_wait3A_139 = tpu.memref_slice %arg6[%dma_wait3A_136, %dma_wait3A_137, %dma_wait3A_138] : memref<2x20x128xi32, #tpu.memory_space<vmem>> -> memref<1x1x128xi32, #tpu.memory_space<vmem>>
      %dma_wait3A_140 = tpu.memref_squeeze %dma_wait3A_139 : memref<1x1x128xi32, #tpu.memory_space<vmem>> -> memref<128xi32, #tpu.memory_space<vmem>>
      %dma_wait3A_141 = arith.constant 0 : i32
      %dma_wait3A_142 = arith.constant 0 : i32
      %dma_wait3A_143 = tpu.memref_slice %arg9[%dma_wait3A_141, %dma_wait3A_142] : memref<10112x128xf32, #tpu.memory_space<vmem_shared>> -> memref<10112x128xf32, #tpu.memory_space<vmem_shared>>
      tpu.wait_indirect_dma semaphore(%arg13 : memref<!tpu.dma_semaphore, #tpu.memory_space<semaphore_mem>>) src(%arg8 : memref<128x128xf32, #tpu.memory_space<vmem>>) dst(%dma_wait3A_143 : memref<10112x128xf32, #tpu.memory_space<vmem_shared>>)
      %dma_start3A_144 = arith.constant 0 : i32
      %dma_start3A_145 = arith.constant 5 : i32
      %dma_start3A_146 = arith.constant 0 : i32
      %dma_start3A_147 = tpu.memref_slice %arg6[%dma_start3A_144, %dma_start3A_145, %dma_start3A_146] : memref<2x20x128xi32, #tpu.memory_space<vmem>> -> memref<1x1x128xi32, #tpu.memory_space<vmem>>
      %dma_start3A_148 = tpu.memref_squeeze %dma_start3A_147 : memref<1x1x128xi32, #tpu.memory_space<vmem>> -> memref<128xi32, #tpu.memory_space<vmem>>
      %dma_start3A_149 = arith.constant 0 : i32
      %dma_start3A_150 = arith.constant 0 : i32
      %dma_start3A_151 = tpu.memref_slice %arg2[%dma_start3A_149, %dma_start3A_150] : memref<20000x128xf32, #tpu.memory_space<hbm>> -> memref<20000x128xf32, #tpu.memory_space<hbm>>
      tpu.enqueue_indirect_dma source(%dma_start3A_151 : memref<20000x128xf32, #tpu.memory_space<hbm>>) target(%arg8 : memref<128x128xf32, #tpu.memory_space<vmem>>) offsets(%dma_start3A_148 : memref<128xi32, #tpu.memory_space<vmem>>) semaphore(%arg11 : memref<!tpu.dma_semaphore, #tpu.memory_space<semaphore_mem>>)
      %dma_wait3A_152 = arith.constant 0 : i32
      %dma_wait3A_153 = arith.constant 4 : i32
      %dma_wait3A_154 = arith.constant 0 : i32
      %dma_wait3A_155 = tpu.memref_slice %arg6[%dma_wait3A_152, %dma_wait3A_153, %dma_wait3A_154] : memref<2x20x128xi32, #tpu.memory_space<vmem>> -> memref<1x1x128xi32, #tpu.memory_space<vmem>>
      %dma_wait3A_156 = tpu.memref_squeeze %dma_wait3A_155 : memref<1x1x128xi32, #tpu.memory_space<vmem>> -> memref<128xi32, #tpu.memory_space<vmem>>
      %dma_wait3A_157 = arith.constant 0 : i32
      %dma_wait3A_158 = arith.constant 0 : i32
      %dma_wait3A_159 = tpu.memref_slice %arg2[%dma_wait3A_157, %dma_wait3A_158] : memref<20000x128xf32, #tpu.memory_space<hbm>> -> memref<20000x128xf32, #tpu.memory_space<hbm>>
      tpu.wait_indirect_dma semaphore(%arg10 : memref<!tpu.dma_semaphore, #tpu.memory_space<semaphore_mem>>) src(%dma_wait3A_159 : memref<20000x128xf32, #tpu.memory_space<hbm>>) dst(%arg7 : memref<128x128xf32, #tpu.memory_space<vmem>>)
      %dma_start3A_160 = arith.constant 1 : i32
      %dma_start3A_161 = arith.constant 4 : i32
      %dma_start3A_162 = arith.constant 0 : i32
      %dma_start3A_163 = tpu.memref_slice %arg6[%dma_start3A_160, %dma_start3A_161, %dma_start3A_162] : memref<2x20x128xi32, #tpu.memory_space<vmem>> -> memref<1x1x128xi32, #tpu.memory_space<vmem>>
      %dma_start3A_164 = tpu.memref_squeeze %dma_start3A_163 : memref<1x1x128xi32, #tpu.memory_space<vmem>> -> memref<128xi32, #tpu.memory_space<vmem>>
      %dma_start3A_165 = arith.constant 0 : i32
      %dma_start3A_166 = arith.constant 0 : i32
      %dma_start3A_167 = tpu.memref_slice %arg9[%dma_start3A_165, %dma_start3A_166] : memref<10112x128xf32, #tpu.memory_space<vmem_shared>> -> memref<10112x128xf32, #tpu.memory_space<vmem_shared>>
      tpu.enqueue_indirect_dma source(%arg7 : memref<128x128xf32, #tpu.memory_space<vmem>>) target(%dma_start3A_167 : memref<10112x128xf32, #tpu.memory_space<vmem_shared>>) offsets(%dma_start3A_164 : memref<128xi32, #tpu.memory_space<vmem>>) semaphore(%arg12 : memref<!tpu.dma_semaphore, #tpu.memory_space<semaphore_mem>>) {add = true}
      %dma_wait3A_168 = arith.constant 1 : i32
      %dma_wait3A_169 = arith.constant 4 : i32
      %dma_wait3A_170 = arith.constant 0 : i32
      %dma_wait3A_171 = tpu.memref_slice %arg6[%dma_wait3A_168, %dma_wait3A_169, %dma_wait3A_170] : memref<2x20x128xi32, #tpu.memory_space<vmem>> -> memref<1x1x128xi32, #tpu.memory_space<vmem>>
      %dma_wait3A_172 = tpu.memref_squeeze %dma_wait3A_171 : memref<1x1x128xi32, #tpu.memory_space<vmem>> -> memref<128xi32, #tpu.memory_space<vmem>>
      %dma_wait3A_173 = arith.constant 0 : i32
      %dma_wait3A_174 = arith.constant 0 : i32
      %dma_wait3A_175 = tpu.memref_slice %arg9[%dma_wait3A_173, %dma_wait3A_174] : memref<10112x128xf32, #tpu.memory_space<vmem_shared>> -> memref<10112x128xf32, #tpu.memory_space<vmem_shared>>
      tpu.wait_indirect_dma semaphore(%arg12 : memref<!tpu.dma_semaphore, #tpu.memory_space<semaphore_mem>>) src(%arg7 : memref<128x128xf32, #tpu.memory_space<vmem>>) dst(%dma_wait3A_175 : memref<10112x128xf32, #tpu.memory_space<vmem_shared>>)
      %dma_start3A_176 = arith.constant 0 : i32
      %dma_start3A_177 = arith.constant 6 : i32
      %dma_start3A_178 = arith.constant 0 : i32
      %dma_start3A_179 = tpu.memref_slice %arg6[%dma_start3A_176, %dma_start3A_177, %dma_start3A_178] : memref<2x20x128xi32, #tpu.memory_space<vmem>> -> memref<1x1x128xi32, #tpu.memory_space<vmem>>
      %dma_start3A_180 = tpu.memref_squeeze %dma_start3A_179 : memref<1x1x128xi32, #tpu.memory_space<vmem>> -> memref<128xi32, #tpu.memory_space<vmem>>
      %dma_start3A_181 = arith.constant 0 : i32
      %dma_start3A_182 = arith.constant 0 : i32
      %dma_start3A_183 = tpu.memref_slice %arg2[%dma_start3A_181, %dma_start3A_182] : memref<20000x128xf32, #tpu.memory_space<hbm>> -> memref<20000x128xf32, #tpu.memory_space<hbm>>
      tpu.enqueue_indirect_dma source(%dma_start3A_183 : memref<20000x128xf32, #tpu.memory_space<hbm>>) target(%arg7 : memref<128x128xf32, #tpu.memory_space<vmem>>) offsets(%dma_start3A_180 : memref<128xi32, #tpu.memory_space<vmem>>) semaphore(%arg10 : memref<!tpu.dma_semaphore, #tpu.memory_space<semaphore_mem>>)
      %dma_wait3A_184 = arith.constant 0 : i32
      %dma_wait3A_185 = arith.constant 5 : i32
      %dma_wait3A_186 = arith.constant 0 : i32
      %dma_wait3A_187 = tpu.memref_slice %arg6[%dma_wait3A_184, %dma_wait3A_185, %dma_wait3A_186] : memref<2x20x128xi32, #tpu.memory_space<vmem>> -> memref<1x1x128xi32, #tpu.memory_space<vmem>>
      %dma_wait3A_188 = tpu.memref_squeeze %dma_wait3A_187 : memref<1x1x128xi32, #tpu.memory_space<vmem>> -> memref<128xi32, #tpu.memory_space<vmem>>
      %dma_wait3A_189 = arith.constant 0 : i32
      %dma_wait3A_190 = arith.constant 0 : i32
      %dma_wait3A_191 = tpu.memref_slice %arg2[%dma_wait3A_189, %dma_wait3A_190] : memref<20000x128xf32, #tpu.memory_space<hbm>> -> memref<20000x128xf32, #tpu.memory_space<hbm>>
      tpu.wait_indirect_dma semaphore(%arg11 : memref<!tpu.dma_semaphore, #tpu.memory_space<semaphore_mem>>) src(%dma_wait3A_191 : memref<20000x128xf32, #tpu.memory_space<hbm>>) dst(%arg8 : memref<128x128xf32, #tpu.memory_space<vmem>>)
      %dma_start3A_192 = arith.constant 1 : i32
      %dma_start3A_193 = arith.constant 5 : i32
      %dma_start3A_194 = arith.constant 0 : i32
      %dma_start3A_195 = tpu.memref_slice %arg6[%dma_start3A_192, %dma_start3A_193, %dma_start3A_194] : memref<2x20x128xi32, #tpu.memory_space<vmem>> -> memref<1x1x128xi32, #tpu.memory_space<vmem>>
      %dma_start3A_196 = tpu.memref_squeeze %dma_start3A_195 : memref<1x1x128xi32, #tpu.memory_space<vmem>> -> memref<128xi32, #tpu.memory_space<vmem>>
      %dma_start3A_197 = arith.constant 0 : i32
      %dma_start3A_198 = arith.constant 0 : i32
      %dma_start3A_199 = tpu.memref_slice %arg9[%dma_start3A_197, %dma_start3A_198] : memref<10112x128xf32, #tpu.memory_space<vmem_shared>> -> memref<10112x128xf32, #tpu.memory_space<vmem_shared>>
      tpu.enqueue_indirect_dma source(%arg8 : memref<128x128xf32, #tpu.memory_space<vmem>>) target(%dma_start3A_199 : memref<10112x128xf32, #tpu.memory_space<vmem_shared>>) offsets(%dma_start3A_196 : memref<128xi32, #tpu.memory_space<vmem>>) semaphore(%arg13 : memref<!tpu.dma_semaphore, #tpu.memory_space<semaphore_mem>>) {add = true}
      %dma_wait3A_200 = arith.constant 1 : i32
      %dma_wait3A_201 = arith.constant 5 : i32
      %dma_wait3A_202 = arith.constant 0 : i32
      %dma_wait3A_203 = tpu.memref_slice %arg6[%dma_wait3A_200, %dma_wait3A_201, %dma_wait3A_202] : memref<2x20x128xi32, #tpu.memory_space<vmem>> -> memref<1x1x128xi32, #tpu.memory_space<vmem>>
      %dma_wait3A_204 = tpu.memref_squeeze %dma_wait3A_203 : memref<1x1x128xi32, #tpu.memory_space<vmem>> -> memref<128xi32, #tpu.memory_space<vmem>>
      %dma_wait3A_205 = arith.constant 0 : i32
      %dma_wait3A_206 = arith.constant 0 : i32
      %dma_wait3A_207 = tpu.memref_slice %arg9[%dma_wait3A_205, %dma_wait3A_206] : memref<10112x128xf32, #tpu.memory_space<vmem_shared>> -> memref<10112x128xf32, #tpu.memory_space<vmem_shared>>
      tpu.wait_indirect_dma semaphore(%arg13 : memref<!tpu.dma_semaphore, #tpu.memory_space<semaphore_mem>>) src(%arg8 : memref<128x128xf32, #tpu.memory_space<vmem>>) dst(%dma_wait3A_207 : memref<10112x128xf32, #tpu.memory_space<vmem_shared>>)
      %dma_start3A_208 = arith.constant 0 : i32
      %dma_start3A_209 = arith.constant 7 : i32
      %dma_start3A_210 = arith.constant 0 : i32
      %dma_start3A_211 = tpu.memref_slice %arg6[%dma_start3A_208, %dma_start3A_209, %dma_start3A_210] : memref<2x20x128xi32, #tpu.memory_space<vmem>> -> memref<1x1x128xi32, #tpu.memory_space<vmem>>
      %dma_start3A_212 = tpu.memref_squeeze %dma_start3A_211 : memref<1x1x128xi32, #tpu.memory_space<vmem>> -> memref<128xi32, #tpu.memory_space<vmem>>
      %dma_start3A_213 = arith.constant 0 : i32
      %dma_start3A_214 = arith.constant 0 : i32
      %dma_start3A_215 = tpu.memref_slice %arg2[%dma_start3A_213, %dma_start3A_214] : memref<20000x128xf32, #tpu.memory_space<hbm>> -> memref<20000x128xf32, #tpu.memory_space<hbm>>
      tpu.enqueue_indirect_dma source(%dma_start3A_215 : memref<20000x128xf32, #tpu.memory_space<hbm>>) target(%arg8 : memref<128x128xf32, #tpu.memory_space<vmem>>) offsets(%dma_start3A_212 : memref<128xi32, #tpu.memory_space<vmem>>) semaphore(%arg11 : memref<!tpu.dma_semaphore, #tpu.memory_space<semaphore_mem>>)
      %dma_wait3A_216 = arith.constant 0 : i32
      %dma_wait3A_217 = arith.constant 6 : i32
      %dma_wait3A_218 = arith.constant 0 : i32
      %dma_wait3A_219 = tpu.memref_slice %arg6[%dma_wait3A_216, %dma_wait3A_217, %dma_wait3A_218] : memref<2x20x128xi32, #tpu.memory_space<vmem>> -> memref<1x1x128xi32, #tpu.memory_space<vmem>>
      %dma_wait3A_220 = tpu.memref_squeeze %dma_wait3A_219 : memref<1x1x128xi32, #tpu.memory_space<vmem>> -> memref<128xi32, #tpu.memory_space<vmem>>
      %dma_wait3A_221 = arith.constant 0 : i32
      %dma_wait3A_222 = arith.constant 0 : i32
      %dma_wait3A_223 = tpu.memref_slice %arg2[%dma_wait3A_221, %dma_wait3A_222] : memref<20000x128xf32, #tpu.memory_space<hbm>> -> memref<20000x128xf32, #tpu.memory_space<hbm>>
      tpu.wait_indirect_dma semaphore(%arg10 : memref<!tpu.dma_semaphore, #tpu.memory_space<semaphore_mem>>) src(%dma_wait3A_223 : memref<20000x128xf32, #tpu.memory_space<hbm>>) dst(%arg7 : memref<128x128xf32, #tpu.memory_space<vmem>>)
      %dma_start3A_224 = arith.constant 1 : i32
      %dma_start3A_225 = arith.constant 6 : i32
      %dma_start3A_226 = arith.constant 0 : i32
      %dma_start3A_227 = tpu.memref_slice %arg6[%dma_start3A_224, %dma_start3A_225, %dma_start3A_226] : memref<2x20x128xi32, #tpu.memory_space<vmem>> -> memref<1x1x128xi32, #tpu.memory_space<vmem>>
      %dma_start3A_228 = tpu.memref_squeeze %dma_start3A_227 : memref<1x1x128xi32, #tpu.memory_space<vmem>> -> memref<128xi32, #tpu.memory_space<vmem>>
      %dma_start3A_229 = arith.constant 0 : i32
      %dma_start3A_230 = arith.constant 0 : i32
      %dma_start3A_231 = tpu.memref_slice %arg9[%dma_start3A_229, %dma_start3A_230] : memref<10112x128xf32, #tpu.memory_space<vmem_shared>> -> memref<10112x128xf32, #tpu.memory_space<vmem_shared>>
      tpu.enqueue_indirect_dma source(%arg7 : memref<128x128xf32, #tpu.memory_space<vmem>>) target(%dma_start3A_231 : memref<10112x128xf32, #tpu.memory_space<vmem_shared>>) offsets(%dma_start3A_228 : memref<128xi32, #tpu.memory_space<vmem>>) semaphore(%arg12 : memref<!tpu.dma_semaphore, #tpu.memory_space<semaphore_mem>>) {add = true}
      %dma_wait3A_232 = arith.constant 1 : i32
      %dma_wait3A_233 = arith.constant 6 : i32
      %dma_wait3A_234 = arith.constant 0 : i32
      %dma_wait3A_235 = tpu.memref_slice %arg6[%dma_wait3A_232, %dma_wait3A_233, %dma_wait3A_234] : memref<2x20x128xi32, #tpu.memory_space<vmem>> -> memref<1x1x128xi32, #tpu.memory_space<vmem>>
      %dma_wait3A_236 = tpu.memref_squeeze %dma_wait3A_235 : memref<1x1x128xi32, #tpu.memory_space<vmem>> -> memref<128xi32, #tpu.memory_space<vmem>>
      %dma_wait3A_237 = arith.constant 0 : i32
      %dma_wait3A_238 = arith.constant 0 : i32
      %dma_wait3A_239 = tpu.memref_slice %arg9[%dma_wait3A_237, %dma_wait3A_238] : memref<10112x128xf32, #tpu.memory_space<vmem_shared>> -> memref<10112x128xf32, #tpu.memory_space<vmem_shared>>
      tpu.wait_indirect_dma semaphore(%arg12 : memref<!tpu.dma_semaphore, #tpu.memory_space<semaphore_mem>>) src(%arg7 : memref<128x128xf32, #tpu.memory_space<vmem>>) dst(%dma_wait3A_239 : memref<10112x128xf32, #tpu.memory_space<vmem_shared>>)
      %dma_start3A_240 = arith.constant 0 : i32
      %dma_start3A_241 = arith.constant 8 : i32
      %dma_start3A_242 = arith.constant 0 : i32
      %dma_start3A_243 = tpu.memref_slice %arg6[%dma_start3A_240, %dma_start3A_241, %dma_start3A_242] : memref<2x20x128xi32, #tpu.memory_space<vmem>> -> memref<1x1x128xi32, #tpu.memory_space<vmem>>
      %dma_start3A_244 = tpu.memref_squeeze %dma_start3A_243 : memref<1x1x128xi32, #tpu.memory_space<vmem>> -> memref<128xi32, #tpu.memory_space<vmem>>
      %dma_start3A_245 = arith.constant 0 : i32
      %dma_start3A_246 = arith.constant 0 : i32
      %dma_start3A_247 = tpu.memref_slice %arg2[%dma_start3A_245, %dma_start3A_246] : memref<20000x128xf32, #tpu.memory_space<hbm>> -> memref<20000x128xf32, #tpu.memory_space<hbm>>
      tpu.enqueue_indirect_dma source(%dma_start3A_247 : memref<20000x128xf32, #tpu.memory_space<hbm>>) target(%arg7 : memref<128x128xf32, #tpu.memory_space<vmem>>) offsets(%dma_start3A_244 : memref<128xi32, #tpu.memory_space<vmem>>) semaphore(%arg10 : memref<!tpu.dma_semaphore, #tpu.memory_space<semaphore_mem>>)
      %dma_wait3A_248 = arith.constant 0 : i32
      %dma_wait3A_249 = arith.constant 7 : i32
      %dma_wait3A_250 = arith.constant 0 : i32
      %dma_wait3A_251 = tpu.memref_slice %arg6[%dma_wait3A_248, %dma_wait3A_249, %dma_wait3A_250] : memref<2x20x128xi32, #tpu.memory_space<vmem>> -> memref<1x1x128xi32, #tpu.memory_space<vmem>>
      %dma_wait3A_252 = tpu.memref_squeeze %dma_wait3A_251 : memref<1x1x128xi32, #tpu.memory_space<vmem>> -> memref<128xi32, #tpu.memory_space<vmem>>
      %dma_wait3A_253 = arith.constant 0 : i32
      %dma_wait3A_254 = arith.constant 0 : i32
      %dma_wait3A_255 = tpu.memref_slice %arg2[%dma_wait3A_253, %dma_wait3A_254] : memref<20000x128xf32, #tpu.memory_space<hbm>> -> memref<20000x128xf32, #tpu.memory_space<hbm>>
      tpu.wait_indirect_dma semaphore(%arg11 : memref<!tpu.dma_semaphore, #tpu.memory_space<semaphore_mem>>) src(%dma_wait3A_255 : memref<20000x128xf32, #tpu.memory_space<hbm>>) dst(%arg8 : memref<128x128xf32, #tpu.memory_space<vmem>>)
      %dma_start3A_256 = arith.constant 1 : i32
      %dma_start3A_257 = arith.constant 7 : i32
      %dma_start3A_258 = arith.constant 0 : i32
      %dma_start3A_259 = tpu.memref_slice %arg6[%dma_start3A_256, %dma_start3A_257, %dma_start3A_258] : memref<2x20x128xi32, #tpu.memory_space<vmem>> -> memref<1x1x128xi32, #tpu.memory_space<vmem>>
      %dma_start3A_260 = tpu.memref_squeeze %dma_start3A_259 : memref<1x1x128xi32, #tpu.memory_space<vmem>> -> memref<128xi32, #tpu.memory_space<vmem>>
      %dma_start3A_261 = arith.constant 0 : i32
      %dma_start3A_262 = arith.constant 0 : i32
      %dma_start3A_263 = tpu.memref_slice %arg9[%dma_start3A_261, %dma_start3A_262] : memref<10112x128xf32, #tpu.memory_space<vmem_shared>> -> memref<10112x128xf32, #tpu.memory_space<vmem_shared>>
      tpu.enqueue_indirect_dma source(%arg8 : memref<128x128xf32, #tpu.memory_space<vmem>>) target(%dma_start3A_263 : memref<10112x128xf32, #tpu.memory_space<vmem_shared>>) offsets(%dma_start3A_260 : memref<128xi32, #tpu.memory_space<vmem>>) semaphore(%arg13 : memref<!tpu.dma_semaphore, #tpu.memory_space<semaphore_mem>>) {add = true}
      %dma_wait3A_264 = arith.constant 1 : i32
      %dma_wait3A_265 = arith.constant 7 : i32
      %dma_wait3A_266 = arith.constant 0 : i32
      %dma_wait3A_267 = tpu.memref_slice %arg6[%dma_wait3A_264, %dma_wait3A_265, %dma_wait3A_266] : memref<2x20x128xi32, #tpu.memory_space<vmem>> -> memref<1x1x128xi32, #tpu.memory_space<vmem>>
      %dma_wait3A_268 = tpu.memref_squeeze %dma_wait3A_267 : memref<1x1x128xi32, #tpu.memory_space<vmem>> -> memref<128xi32, #tpu.memory_space<vmem>>
      %dma_wait3A_269 = arith.constant 0 : i32
      %dma_wait3A_270 = arith.constant 0 : i32
      %dma_wait3A_271 = tpu.memref_slice %arg9[%dma_wait3A_269, %dma_wait3A_270] : memref<10112x128xf32, #tpu.memory_space<vmem_shared>> -> memref<10112x128xf32, #tpu.memory_space<vmem_shared>>
      tpu.wait_indirect_dma semaphore(%arg13 : memref<!tpu.dma_semaphore, #tpu.memory_space<semaphore_mem>>) src(%arg8 : memref<128x128xf32, #tpu.memory_space<vmem>>) dst(%dma_wait3A_271 : memref<10112x128xf32, #tpu.memory_space<vmem_shared>>)
      %dma_start3A_272 = arith.constant 0 : i32
      %dma_start3A_273 = arith.constant 9 : i32
      %dma_start3A_274 = arith.constant 0 : i32
      %dma_start3A_275 = tpu.memref_slice %arg6[%dma_start3A_272, %dma_start3A_273, %dma_start3A_274] : memref<2x20x128xi32, #tpu.memory_space<vmem>> -> memref<1x1x128xi32, #tpu.memory_space<vmem>>
      %dma_start3A_276 = tpu.memref_squeeze %dma_start3A_275 : memref<1x1x128xi32, #tpu.memory_space<vmem>> -> memref<128xi32, #tpu.memory_space<vmem>>
      %dma_start3A_277 = arith.constant 0 : i32
      %dma_start3A_278 = arith.constant 0 : i32
      %dma_start3A_279 = tpu.memref_slice %arg2[%dma_start3A_277, %dma_start3A_278] : memref<20000x128xf32, #tpu.memory_space<hbm>> -> memref<20000x128xf32, #tpu.memory_space<hbm>>
      tpu.enqueue_indirect_dma source(%dma_start3A_279 : memref<20000x128xf32, #tpu.memory_space<hbm>>) target(%arg8 : memref<128x128xf32, #tpu.memory_space<vmem>>) offsets(%dma_start3A_276 : memref<128xi32, #tpu.memory_space<vmem>>) semaphore(%arg11 : memref<!tpu.dma_semaphore, #tpu.memory_space<semaphore_mem>>)
      %dma_wait3A_280 = arith.constant 0 : i32
      %dma_wait3A_281 = arith.constant 8 : i32
      %dma_wait3A_282 = arith.constant 0 : i32
      %dma_wait3A_283 = tpu.memref_slice %arg6[%dma_wait3A_280, %dma_wait3A_281, %dma_wait3A_282] : memref<2x20x128xi32, #tpu.memory_space<vmem>> -> memref<1x1x128xi32, #tpu.memory_space<vmem>>
      %dma_wait3A_284 = tpu.memref_squeeze %dma_wait3A_283 : memref<1x1x128xi32, #tpu.memory_space<vmem>> -> memref<128xi32, #tpu.memory_space<vmem>>
      %dma_wait3A_285 = arith.constant 0 : i32
      %dma_wait3A_286 = arith.constant 0 : i32
      %dma_wait3A_287 = tpu.memref_slice %arg2[%dma_wait3A_285, %dma_wait3A_286] : memref<20000x128xf32, #tpu.memory_space<hbm>> -> memref<20000x128xf32, #tpu.memory_space<hbm>>
      tpu.wait_indirect_dma semaphore(%arg10 : memref<!tpu.dma_semaphore, #tpu.memory_space<semaphore_mem>>) src(%dma_wait3A_287 : memref<20000x128xf32, #tpu.memory_space<hbm>>) dst(%arg7 : memref<128x128xf32, #tpu.memory_space<vmem>>)
      %dma_start3A_288 = arith.constant 1 : i32
      %dma_start3A_289 = arith.constant 8 : i32
      %dma_start3A_290 = arith.constant 0 : i32
      %dma_start3A_291 = tpu.memref_slice %arg6[%dma_start3A_288, %dma_start3A_289, %dma_start3A_290] : memref<2x20x128xi32, #tpu.memory_space<vmem>> -> memref<1x1x128xi32, #tpu.memory_space<vmem>>
      %dma_start3A_292 = tpu.memref_squeeze %dma_start3A_291 : memref<1x1x128xi32, #tpu.memory_space<vmem>> -> memref<128xi32, #tpu.memory_space<vmem>>
      %dma_start3A_293 = arith.constant 0 : i32
      %dma_start3A_294 = arith.constant 0 : i32
      %dma_start3A_295 = tpu.memref_slice %arg9[%dma_start3A_293, %dma_start3A_294] : memref<10112x128xf32, #tpu.memory_space<vmem_shared>> -> memref<10112x128xf32, #tpu.memory_space<vmem_shared>>
      tpu.enqueue_indirect_dma source(%arg7 : memref<128x128xf32, #tpu.memory_space<vmem>>) target(%dma_start3A_295 : memref<10112x128xf32, #tpu.memory_space<vmem_shared>>) offsets(%dma_start3A_292 : memref<128xi32, #tpu.memory_space<vmem>>) semaphore(%arg12 : memref<!tpu.dma_semaphore, #tpu.memory_space<semaphore_mem>>) {add = true}
      %dma_wait3A_296 = arith.constant 1 : i32
      %dma_wait3A_297 = arith.constant 8 : i32
      %dma_wait3A_298 = arith.constant 0 : i32
      %dma_wait3A_299 = tpu.memref_slice %arg6[%dma_wait3A_296, %dma_wait3A_297, %dma_wait3A_298] : memref<2x20x128xi32, #tpu.memory_space<vmem>> -> memref<1x1x128xi32, #tpu.memory_space<vmem>>
      %dma_wait3A_300 = tpu.memref_squeeze %dma_wait3A_299 : memref<1x1x128xi32, #tpu.memory_space<vmem>> -> memref<128xi32, #tpu.memory_space<vmem>>
      %dma_wait3A_301 = arith.constant 0 : i32
      %dma_wait3A_302 = arith.constant 0 : i32
      %dma_wait3A_303 = tpu.memref_slice %arg9[%dma_wait3A_301, %dma_wait3A_302] : memref<10112x128xf32, #tpu.memory_space<vmem_shared>> -> memref<10112x128xf32, #tpu.memory_space<vmem_shared>>
      tpu.wait_indirect_dma semaphore(%arg12 : memref<!tpu.dma_semaphore, #tpu.memory_space<semaphore_mem>>) src(%arg7 : memref<128x128xf32, #tpu.memory_space<vmem>>) dst(%dma_wait3A_303 : memref<10112x128xf32, #tpu.memory_space<vmem_shared>>)
      %dma_start3A_304 = arith.constant 0 : i32
      %dma_start3A_305 = arith.constant 10 : i32
      %dma_start3A_306 = arith.constant 0 : i32
      %dma_start3A_307 = tpu.memref_slice %arg6[%dma_start3A_304, %dma_start3A_305, %dma_start3A_306] : memref<2x20x128xi32, #tpu.memory_space<vmem>> -> memref<1x1x128xi32, #tpu.memory_space<vmem>>
      %dma_start3A_308 = tpu.memref_squeeze %dma_start3A_307 : memref<1x1x128xi32, #tpu.memory_space<vmem>> -> memref<128xi32, #tpu.memory_space<vmem>>
      %dma_start3A_309 = arith.constant 0 : i32
      %dma_start3A_310 = arith.constant 0 : i32
      %dma_start3A_311 = tpu.memref_slice %arg2[%dma_start3A_309, %dma_start3A_310] : memref<20000x128xf32, #tpu.memory_space<hbm>> -> memref<20000x128xf32, #tpu.memory_space<hbm>>
      tpu.enqueue_indirect_dma source(%dma_start3A_311 : memref<20000x128xf32, #tpu.memory_space<hbm>>) target(%arg7 : memref<128x128xf32, #tpu.memory_space<vmem>>) offsets(%dma_start3A_308 : memref<128xi32, #tpu.memory_space<vmem>>) semaphore(%arg10 : memref<!tpu.dma_semaphore, #tpu.memory_space<semaphore_mem>>)
      %dma_wait3A_312 = arith.constant 0 : i32
      %dma_wait3A_313 = arith.constant 9 : i32
      %dma_wait3A_314 = arith.constant 0 : i32
      %dma_wait3A_315 = tpu.memref_slice %arg6[%dma_wait3A_312, %dma_wait3A_313, %dma_wait3A_314] : memref<2x20x128xi32, #tpu.memory_space<vmem>> -> memref<1x1x128xi32, #tpu.memory_space<vmem>>
      %dma_wait3A_316 = tpu.memref_squeeze %dma_wait3A_315 : memref<1x1x128xi32, #tpu.memory_space<vmem>> -> memref<128xi32, #tpu.memory_space<vmem>>
      %dma_wait3A_317 = arith.constant 0 : i32
      %dma_wait3A_318 = arith.constant 0 : i32
      %dma_wait3A_319 = tpu.memref_slice %arg2[%dma_wait3A_317, %dma_wait3A_318] : memref<20000x128xf32, #tpu.memory_space<hbm>> -> memref<20000x128xf32, #tpu.memory_space<hbm>>
      tpu.wait_indirect_dma semaphore(%arg11 : memref<!tpu.dma_semaphore, #tpu.memory_space<semaphore_mem>>) src(%dma_wait3A_319 : memref<20000x128xf32, #tpu.memory_space<hbm>>) dst(%arg8 : memref<128x128xf32, #tpu.memory_space<vmem>>)
      %dma_start3A_320 = arith.constant 1 : i32
      %dma_start3A_321 = arith.constant 9 : i32
      %dma_start3A_322 = arith.constant 0 : i32
      %dma_start3A_323 = tpu.memref_slice %arg6[%dma_start3A_320, %dma_start3A_321, %dma_start3A_322] : memref<2x20x128xi32, #tpu.memory_space<vmem>> -> memref<1x1x128xi32, #tpu.memory_space<vmem>>
      %dma_start3A_324 = tpu.memref_squeeze %dma_start3A_323 : memref<1x1x128xi32, #tpu.memory_space<vmem>> -> memref<128xi32, #tpu.memory_space<vmem>>
      %dma_start3A_325 = arith.constant 0 : i32
      %dma_start3A_326 = arith.constant 0 : i32
      %dma_start3A_327 = tpu.memref_slice %arg9[%dma_start3A_325, %dma_start3A_326] : memref<10112x128xf32, #tpu.memory_space<vmem_shared>> -> memref<10112x128xf32, #tpu.memory_space<vmem_shared>>
      tpu.enqueue_indirect_dma source(%arg8 : memref<128x128xf32, #tpu.memory_space<vmem>>) target(%dma_start3A_327 : memref<10112x128xf32, #tpu.memory_space<vmem_shared>>) offsets(%dma_start3A_324 : memref<128xi32, #tpu.memory_space<vmem>>) semaphore(%arg13 : memref<!tpu.dma_semaphore, #tpu.memory_space<semaphore_mem>>) {add = true}
      %dma_wait3A_328 = arith.constant 1 : i32
      %dma_wait3A_329 = arith.constant 9 : i32
      %dma_wait3A_330 = arith.constant 0 : i32
      %dma_wait3A_331 = tpu.memref_slice %arg6[%dma_wait3A_328, %dma_wait3A_329, %dma_wait3A_330] : memref<2x20x128xi32, #tpu.memory_space<vmem>> -> memref<1x1x128xi32, #tpu.memory_space<vmem>>
      %dma_wait3A_332 = tpu.memref_squeeze %dma_wait3A_331 : memref<1x1x128xi32, #tpu.memory_space<vmem>> -> memref<128xi32, #tpu.memory_space<vmem>>
      %dma_wait3A_333 = arith.constant 0 : i32
      %dma_wait3A_334 = arith.constant 0 : i32
      %dma_wait3A_335 = tpu.memref_slice %arg9[%dma_wait3A_333, %dma_wait3A_334] : memref<10112x128xf32, #tpu.memory_space<vmem_shared>> -> memref<10112x128xf32, #tpu.memory_space<vmem_shared>>
      tpu.wait_indirect_dma semaphore(%arg13 : memref<!tpu.dma_semaphore, #tpu.memory_space<semaphore_mem>>) src(%arg8 : memref<128x128xf32, #tpu.memory_space<vmem>>) dst(%dma_wait3A_335 : memref<10112x128xf32, #tpu.memory_space<vmem_shared>>)
      %dma_start3A_336 = arith.constant 0 : i32
      %dma_start3A_337 = arith.constant 11 : i32
      %dma_start3A_338 = arith.constant 0 : i32
      %dma_start3A_339 = tpu.memref_slice %arg6[%dma_start3A_336, %dma_start3A_337, %dma_start3A_338] : memref<2x20x128xi32, #tpu.memory_space<vmem>> -> memref<1x1x128xi32, #tpu.memory_space<vmem>>
      %dma_start3A_340 = tpu.memref_squeeze %dma_start3A_339 : memref<1x1x128xi32, #tpu.memory_space<vmem>> -> memref<128xi32, #tpu.memory_space<vmem>>
      %dma_start3A_341 = arith.constant 0 : i32
      %dma_start3A_342 = arith.constant 0 : i32
      %dma_start3A_343 = tpu.memref_slice %arg2[%dma_start3A_341, %dma_start3A_342] : memref<20000x128xf32, #tpu.memory_space<hbm>> -> memref<20000x128xf32, #tpu.memory_space<hbm>>
      tpu.enqueue_indirect_dma source(%dma_start3A_343 : memref<20000x128xf32, #tpu.memory_space<hbm>>) target(%arg8 : memref<128x128xf32, #tpu.memory_space<vmem>>) offsets(%dma_start3A_340 : memref<128xi32, #tpu.memory_space<vmem>>) semaphore(%arg11 : memref<!tpu.dma_semaphore, #tpu.memory_space<semaphore_mem>>)
      %dma_wait3A_344 = arith.constant 0 : i32
      %dma_wait3A_345 = arith.constant 10 : i32
      %dma_wait3A_346 = arith.constant 0 : i32
      %dma_wait3A_347 = tpu.memref_slice %arg6[%dma_wait3A_344, %dma_wait3A_345, %dma_wait3A_346] : memref<2x20x128xi32, #tpu.memory_space<vmem>> -> memref<1x1x128xi32, #tpu.memory_space<vmem>>
      %dma_wait3A_348 = tpu.memref_squeeze %dma_wait3A_347 : memref<1x1x128xi32, #tpu.memory_space<vmem>> -> memref<128xi32, #tpu.memory_space<vmem>>
      %dma_wait3A_349 = arith.constant 0 : i32
      %dma_wait3A_350 = arith.constant 0 : i32
      %dma_wait3A_351 = tpu.memref_slice %arg2[%dma_wait3A_349, %dma_wait3A_350] : memref<20000x128xf32, #tpu.memory_space<hbm>> -> memref<20000x128xf32, #tpu.memory_space<hbm>>
      tpu.wait_indirect_dma semaphore(%arg10 : memref<!tpu.dma_semaphore, #tpu.memory_space<semaphore_mem>>) src(%dma_wait3A_351 : memref<20000x128xf32, #tpu.memory_space<hbm>>) dst(%arg7 : memref<128x128xf32, #tpu.memory_space<vmem>>)
      %dma_start3A_352 = arith.constant 1 : i32
      %dma_start3A_353 = arith.constant 10 : i32
      %dma_start3A_354 = arith.constant 0 : i32
      %dma_start3A_355 = tpu.memref_slice %arg6[%dma_start3A_352, %dma_start3A_353, %dma_start3A_354] : memref<2x20x128xi32, #tpu.memory_space<vmem>> -> memref<1x1x128xi32, #tpu.memory_space<vmem>>
      %dma_start3A_356 = tpu.memref_squeeze %dma_start3A_355 : memref<1x1x128xi32, #tpu.memory_space<vmem>> -> memref<128xi32, #tpu.memory_space<vmem>>
      %dma_start3A_357 = arith.constant 0 : i32
      %dma_start3A_358 = arith.constant 0 : i32
      %dma_start3A_359 = tpu.memref_slice %arg9[%dma_start3A_357, %dma_start3A_358] : memref<10112x128xf32, #tpu.memory_space<vmem_shared>> -> memref<10112x128xf32, #tpu.memory_space<vmem_shared>>
      tpu.enqueue_indirect_dma source(%arg7 : memref<128x128xf32, #tpu.memory_space<vmem>>) target(%dma_start3A_359 : memref<10112x128xf32, #tpu.memory_space<vmem_shared>>) offsets(%dma_start3A_356 : memref<128xi32, #tpu.memory_space<vmem>>) semaphore(%arg12 : memref<!tpu.dma_semaphore, #tpu.memory_space<semaphore_mem>>) {add = true}
      %dma_wait3A_360 = arith.constant 1 : i32
      %dma_wait3A_361 = arith.constant 10 : i32
      %dma_wait3A_362 = arith.constant 0 : i32
      %dma_wait3A_363 = tpu.memref_slice %arg6[%dma_wait3A_360, %dma_wait3A_361, %dma_wait3A_362] : memref<2x20x128xi32, #tpu.memory_space<vmem>> -> memref<1x1x128xi32, #tpu.memory_space<vmem>>
      %dma_wait3A_364 = tpu.memref_squeeze %dma_wait3A_363 : memref<1x1x128xi32, #tpu.memory_space<vmem>> -> memref<128xi32, #tpu.memory_space<vmem>>
      %dma_wait3A_365 = arith.constant 0 : i32
      %dma_wait3A_366 = arith.constant 0 : i32
      %dma_wait3A_367 = tpu.memref_slice %arg9[%dma_wait3A_365, %dma_wait3A_366] : memref<10112x128xf32, #tpu.memory_space<vmem_shared>> -> memref<10112x128xf32, #tpu.memory_space<vmem_shared>>
      tpu.wait_indirect_dma semaphore(%arg12 : memref<!tpu.dma_semaphore, #tpu.memory_space<semaphore_mem>>) src(%arg7 : memref<128x128xf32, #tpu.memory_space<vmem>>) dst(%dma_wait3A_367 : memref<10112x128xf32, #tpu.memory_space<vmem_shared>>)
      %dma_start3A_368 = arith.constant 0 : i32
      %dma_start3A_369 = arith.constant 12 : i32
      %dma_start3A_370 = arith.constant 0 : i32
      %dma_start3A_371 = tpu.memref_slice %arg6[%dma_start3A_368, %dma_start3A_369, %dma_start3A_370] : memref<2x20x128xi32, #tpu.memory_space<vmem>> -> memref<1x1x128xi32, #tpu.memory_space<vmem>>
      %dma_start3A_372 = tpu.memref_squeeze %dma_start3A_371 : memref<1x1x128xi32, #tpu.memory_space<vmem>> -> memref<128xi32, #tpu.memory_space<vmem>>
      %dma_start3A_373 = arith.constant 0 : i32
      %dma_start3A_374 = arith.constant 0 : i32
      %dma_start3A_375 = tpu.memref_slice %arg2[%dma_start3A_373, %dma_start3A_374] : memref<20000x128xf32, #tpu.memory_space<hbm>> -> memref<20000x128xf32, #tpu.memory_space<hbm>>
      tpu.enqueue_indirect_dma source(%dma_start3A_375 : memref<20000x128xf32, #tpu.memory_space<hbm>>) target(%arg7 : memref<128x128xf32, #tpu.memory_space<vmem>>) offsets(%dma_start3A_372 : memref<128xi32, #tpu.memory_space<vmem>>) semaphore(%arg10 : memref<!tpu.dma_semaphore, #tpu.memory_space<semaphore_mem>>)
      %dma_wait3A_376 = arith.constant 0 : i32
      %dma_wait3A_377 = arith.constant 11 : i32
      %dma_wait3A_378 = arith.constant 0 : i32
      %dma_wait3A_379 = tpu.memref_slice %arg6[%dma_wait3A_376, %dma_wait3A_377, %dma_wait3A_378] : memref<2x20x128xi32, #tpu.memory_space<vmem>> -> memref<1x1x128xi32, #tpu.memory_space<vmem>>
      %dma_wait3A_380 = tpu.memref_squeeze %dma_wait3A_379 : memref<1x1x128xi32, #tpu.memory_space<vmem>> -> memref<128xi32, #tpu.memory_space<vmem>>
      %dma_wait3A_381 = arith.constant 0 : i32
      %dma_wait3A_382 = arith.constant 0 : i32
      %dma_wait3A_383 = tpu.memref_slice %arg2[%dma_wait3A_381, %dma_wait3A_382] : memref<20000x128xf32, #tpu.memory_space<hbm>> -> memref<20000x128xf32, #tpu.memory_space<hbm>>
      tpu.wait_indirect_dma semaphore(%arg11 : memref<!tpu.dma_semaphore, #tpu.memory_space<semaphore_mem>>) src(%dma_wait3A_383 : memref<20000x128xf32, #tpu.memory_space<hbm>>) dst(%arg8 : memref<128x128xf32, #tpu.memory_space<vmem>>)
      %dma_start3A_384 = arith.constant 1 : i32
      %dma_start3A_385 = arith.constant 11 : i32
      %dma_start3A_386 = arith.constant 0 : i32
      %dma_start3A_387 = tpu.memref_slice %arg6[%dma_start3A_384, %dma_start3A_385, %dma_start3A_386] : memref<2x20x128xi32, #tpu.memory_space<vmem>> -> memref<1x1x128xi32, #tpu.memory_space<vmem>>
      %dma_start3A_388 = tpu.memref_squeeze %dma_start3A_387 : memref<1x1x128xi32, #tpu.memory_space<vmem>> -> memref<128xi32, #tpu.memory_space<vmem>>
      %dma_start3A_389 = arith.constant 0 : i32
      %dma_start3A_390 = arith.constant 0 : i32
      %dma_start3A_391 = tpu.memref_slice %arg9[%dma_start3A_389, %dma_start3A_390] : memref<10112x128xf32, #tpu.memory_space<vmem_shared>> -> memref<10112x128xf32, #tpu.memory_space<vmem_shared>>
      tpu.enqueue_indirect_dma source(%arg8 : memref<128x128xf32, #tpu.memory_space<vmem>>) target(%dma_start3A_391 : memref<10112x128xf32, #tpu.memory_space<vmem_shared>>) offsets(%dma_start3A_388 : memref<128xi32, #tpu.memory_space<vmem>>) semaphore(%arg13 : memref<!tpu.dma_semaphore, #tpu.memory_space<semaphore_mem>>) {add = true}
      %dma_wait3A_392 = arith.constant 1 : i32
      %dma_wait3A_393 = arith.constant 11 : i32
      %dma_wait3A_394 = arith.constant 0 : i32
      %dma_wait3A_395 = tpu.memref_slice %arg6[%dma_wait3A_392, %dma_wait3A_393, %dma_wait3A_394] : memref<2x20x128xi32, #tpu.memory_space<vmem>> -> memref<1x1x128xi32, #tpu.memory_space<vmem>>
      %dma_wait3A_396 = tpu.memref_squeeze %dma_wait3A_395 : memref<1x1x128xi32, #tpu.memory_space<vmem>> -> memref<128xi32, #tpu.memory_space<vmem>>
      %dma_wait3A_397 = arith.constant 0 : i32
      %dma_wait3A_398 = arith.constant 0 : i32
      %dma_wait3A_399 = tpu.memref_slice %arg9[%dma_wait3A_397, %dma_wait3A_398] : memref<10112x128xf32, #tpu.memory_space<vmem_shared>> -> memref<10112x128xf32, #tpu.memory_space<vmem_shared>>
      tpu.wait_indirect_dma semaphore(%arg13 : memref<!tpu.dma_semaphore, #tpu.memory_space<semaphore_mem>>) src(%arg8 : memref<128x128xf32, #tpu.memory_space<vmem>>) dst(%dma_wait3A_399 : memref<10112x128xf32, #tpu.memory_space<vmem_shared>>)
      %dma_start3A_400 = arith.constant 0 : i32
      %dma_start3A_401 = arith.constant 13 : i32
      %dma_start3A_402 = arith.constant 0 : i32
      %dma_start3A_403 = tpu.memref_slice %arg6[%dma_start3A_400, %dma_start3A_401, %dma_start3A_402] : memref<2x20x128xi32, #tpu.memory_space<vmem>> -> memref<1x1x128xi32, #tpu.memory_space<vmem>>
      %dma_start3A_404 = tpu.memref_squeeze %dma_start3A_403 : memref<1x1x128xi32, #tpu.memory_space<vmem>> -> memref<128xi32, #tpu.memory_space<vmem>>
      %dma_start3A_405 = arith.constant 0 : i32
      %dma_start3A_406 = arith.constant 0 : i32
      %dma_start3A_407 = tpu.memref_slice %arg2[%dma_start3A_405, %dma_start3A_406] : memref<20000x128xf32, #tpu.memory_space<hbm>> -> memref<20000x128xf32, #tpu.memory_space<hbm>>
      tpu.enqueue_indirect_dma source(%dma_start3A_407 : memref<20000x128xf32, #tpu.memory_space<hbm>>) target(%arg8 : memref<128x128xf32, #tpu.memory_space<vmem>>) offsets(%dma_start3A_404 : memref<128xi32, #tpu.memory_space<vmem>>) semaphore(%arg11 : memref<!tpu.dma_semaphore, #tpu.memory_space<semaphore_mem>>)
      %dma_wait3A_408 = arith.constant 0 : i32
      %dma_wait3A_409 = arith.constant 12 : i32
      %dma_wait3A_410 = arith.constant 0 : i32
      %dma_wait3A_411 = tpu.memref_slice %arg6[%dma_wait3A_408, %dma_wait3A_409, %dma_wait3A_410] : memref<2x20x128xi32, #tpu.memory_space<vmem>> -> memref<1x1x128xi32, #tpu.memory_space<vmem>>
      %dma_wait3A_412 = tpu.memref_squeeze %dma_wait3A_411 : memref<1x1x128xi32, #tpu.memory_space<vmem>> -> memref<128xi32, #tpu.memory_space<vmem>>
      %dma_wait3A_413 = arith.constant 0 : i32
      %dma_wait3A_414 = arith.constant 0 : i32
      %dma_wait3A_415 = tpu.memref_slice %arg2[%dma_wait3A_413, %dma_wait3A_414] : memref<20000x128xf32, #tpu.memory_space<hbm>> -> memref<20000x128xf32, #tpu.memory_space<hbm>>
      tpu.wait_indirect_dma semaphore(%arg10 : memref<!tpu.dma_semaphore, #tpu.memory_space<semaphore_mem>>) src(%dma_wait3A_415 : memref<20000x128xf32, #tpu.memory_space<hbm>>) dst(%arg7 : memref<128x128xf32, #tpu.memory_space<vmem>>)
      %dma_start3A_416 = arith.constant 1 : i32
      %dma_start3A_417 = arith.constant 12 : i32
      %dma_start3A_418 = arith.constant 0 : i32
      %dma_start3A_419 = tpu.memref_slice %arg6[%dma_start3A_416, %dma_start3A_417, %dma_start3A_418] : memref<2x20x128xi32, #tpu.memory_space<vmem>> -> memref<1x1x128xi32, #tpu.memory_space<vmem>>
      %dma_start3A_420 = tpu.memref_squeeze %dma_start3A_419 : memref<1x1x128xi32, #tpu.memory_space<vmem>> -> memref<128xi32, #tpu.memory_space<vmem>>
      %dma_start3A_421 = arith.constant 0 : i32
      %dma_start3A_422 = arith.constant 0 : i32
      %dma_start3A_423 = tpu.memref_slice %arg9[%dma_start3A_421, %dma_start3A_422] : memref<10112x128xf32, #tpu.memory_space<vmem_shared>> -> memref<10112x128xf32, #tpu.memory_space<vmem_shared>>
      tpu.enqueue_indirect_dma source(%arg7 : memref<128x128xf32, #tpu.memory_space<vmem>>) target(%dma_start3A_423 : memref<10112x128xf32, #tpu.memory_space<vmem_shared>>) offsets(%dma_start3A_420 : memref<128xi32, #tpu.memory_space<vmem>>) semaphore(%arg12 : memref<!tpu.dma_semaphore, #tpu.memory_space<semaphore_mem>>) {add = true}
      %dma_wait3A_424 = arith.constant 1 : i32
      %dma_wait3A_425 = arith.constant 12 : i32
      %dma_wait3A_426 = arith.constant 0 : i32
      %dma_wait3A_427 = tpu.memref_slice %arg6[%dma_wait3A_424, %dma_wait3A_425, %dma_wait3A_426] : memref<2x20x128xi32, #tpu.memory_space<vmem>> -> memref<1x1x128xi32, #tpu.memory_space<vmem>>
      %dma_wait3A_428 = tpu.memref_squeeze %dma_wait3A_427 : memref<1x1x128xi32, #tpu.memory_space<vmem>> -> memref<128xi32, #tpu.memory_space<vmem>>
      %dma_wait3A_429 = arith.constant 0 : i32
      %dma_wait3A_430 = arith.constant 0 : i32
      %dma_wait3A_431 = tpu.memref_slice %arg9[%dma_wait3A_429, %dma_wait3A_430] : memref<10112x128xf32, #tpu.memory_space<vmem_shared>> -> memref<10112x128xf32, #tpu.memory_space<vmem_shared>>
      tpu.wait_indirect_dma semaphore(%arg12 : memref<!tpu.dma_semaphore, #tpu.memory_space<semaphore_mem>>) src(%arg7 : memref<128x128xf32, #tpu.memory_space<vmem>>) dst(%dma_wait3A_431 : memref<10112x128xf32, #tpu.memory_space<vmem_shared>>)
      %dma_start3A_432 = arith.constant 0 : i32
      %dma_start3A_433 = arith.constant 14 : i32
      %dma_start3A_434 = arith.constant 0 : i32
      %dma_start3A_435 = tpu.memref_slice %arg6[%dma_start3A_432, %dma_start3A_433, %dma_start3A_434] : memref<2x20x128xi32, #tpu.memory_space<vmem>> -> memref<1x1x128xi32, #tpu.memory_space<vmem>>
      %dma_start3A_436 = tpu.memref_squeeze %dma_start3A_435 : memref<1x1x128xi32, #tpu.memory_space<vmem>> -> memref<128xi32, #tpu.memory_space<vmem>>
      %dma_start3A_437 = arith.constant 0 : i32
      %dma_start3A_438 = arith.constant 0 : i32
      %dma_start3A_439 = tpu.memref_slice %arg2[%dma_start3A_437, %dma_start3A_438] : memref<20000x128xf32, #tpu.memory_space<hbm>> -> memref<20000x128xf32, #tpu.memory_space<hbm>>
      tpu.enqueue_indirect_dma source(%dma_start3A_439 : memref<20000x128xf32, #tpu.memory_space<hbm>>) target(%arg7 : memref<128x128xf32, #tpu.memory_space<vmem>>) offsets(%dma_start3A_436 : memref<128xi32, #tpu.memory_space<vmem>>) semaphore(%arg10 : memref<!tpu.dma_semaphore, #tpu.memory_space<semaphore_mem>>)
      %dma_wait3A_440 = arith.constant 0 : i32
      %dma_wait3A_441 = arith.constant 13 : i32
      %dma_wait3A_442 = arith.constant 0 : i32
      %dma_wait3A_443 = tpu.memref_slice %arg6[%dma_wait3A_440, %dma_wait3A_441, %dma_wait3A_442] : memref<2x20x128xi32, #tpu.memory_space<vmem>> -> memref<1x1x128xi32, #tpu.memory_space<vmem>>
      %dma_wait3A_444 = tpu.memref_squeeze %dma_wait3A_443 : memref<1x1x128xi32, #tpu.memory_space<vmem>> -> memref<128xi32, #tpu.memory_space<vmem>>
      %dma_wait3A_445 = arith.constant 0 : i32
      %dma_wait3A_446 = arith.constant 0 : i32
      %dma_wait3A_447 = tpu.memref_slice %arg2[%dma_wait3A_445, %dma_wait3A_446] : memref<20000x128xf32, #tpu.memory_space<hbm>> -> memref<20000x128xf32, #tpu.memory_space<hbm>>
      tpu.wait_indirect_dma semaphore(%arg11 : memref<!tpu.dma_semaphore, #tpu.memory_space<semaphore_mem>>) src(%dma_wait3A_447 : memref<20000x128xf32, #tpu.memory_space<hbm>>) dst(%arg8 : memref<128x128xf32, #tpu.memory_space<vmem>>)
      %dma_start3A_448 = arith.constant 1 : i32
      %dma_start3A_449 = arith.constant 13 : i32
      %dma_start3A_450 = arith.constant 0 : i32
      %dma_start3A_451 = tpu.memref_slice %arg6[%dma_start3A_448, %dma_start3A_449, %dma_start3A_450] : memref<2x20x128xi32, #tpu.memory_space<vmem>> -> memref<1x1x128xi32, #tpu.memory_space<vmem>>
      %dma_start3A_452 = tpu.memref_squeeze %dma_start3A_451 : memref<1x1x128xi32, #tpu.memory_space<vmem>> -> memref<128xi32, #tpu.memory_space<vmem>>
      %dma_start3A_453 = arith.constant 0 : i32
      %dma_start3A_454 = arith.constant 0 : i32
      %dma_start3A_455 = tpu.memref_slice %arg9[%dma_start3A_453, %dma_start3A_454] : memref<10112x128xf32, #tpu.memory_space<vmem_shared>> -> memref<10112x128xf32, #tpu.memory_space<vmem_shared>>
      tpu.enqueue_indirect_dma source(%arg8 : memref<128x128xf32, #tpu.memory_space<vmem>>) target(%dma_start3A_455 : memref<10112x128xf32, #tpu.memory_space<vmem_shared>>) offsets(%dma_start3A_452 : memref<128xi32, #tpu.memory_space<vmem>>) semaphore(%arg13 : memref<!tpu.dma_semaphore, #tpu.memory_space<semaphore_mem>>) {add = true}
      %dma_wait3A_456 = arith.constant 1 : i32
      %dma_wait3A_457 = arith.constant 13 : i32
      %dma_wait3A_458 = arith.constant 0 : i32
      %dma_wait3A_459 = tpu.memref_slice %arg6[%dma_wait3A_456, %dma_wait3A_457, %dma_wait3A_458] : memref<2x20x128xi32, #tpu.memory_space<vmem>> -> memref<1x1x128xi32, #tpu.memory_space<vmem>>
      %dma_wait3A_460 = tpu.memref_squeeze %dma_wait3A_459 : memref<1x1x128xi32, #tpu.memory_space<vmem>> -> memref<128xi32, #tpu.memory_space<vmem>>
      %dma_wait3A_461 = arith.constant 0 : i32
      %dma_wait3A_462 = arith.constant 0 : i32
      %dma_wait3A_463 = tpu.memref_slice %arg9[%dma_wait3A_461, %dma_wait3A_462] : memref<10112x128xf32, #tpu.memory_space<vmem_shared>> -> memref<10112x128xf32, #tpu.memory_space<vmem_shared>>
      tpu.wait_indirect_dma semaphore(%arg13 : memref<!tpu.dma_semaphore, #tpu.memory_space<semaphore_mem>>) src(%arg8 : memref<128x128xf32, #tpu.memory_space<vmem>>) dst(%dma_wait3A_463 : memref<10112x128xf32, #tpu.memory_space<vmem_shared>>)
      %dma_start3A_464 = arith.constant 0 : i32
      %dma_start3A_465 = arith.constant 15 : i32
      %dma_start3A_466 = arith.constant 0 : i32
      %dma_start3A_467 = tpu.memref_slice %arg6[%dma_start3A_464, %dma_start3A_465, %dma_start3A_466] : memref<2x20x128xi32, #tpu.memory_space<vmem>> -> memref<1x1x128xi32, #tpu.memory_space<vmem>>
      %dma_start3A_468 = tpu.memref_squeeze %dma_start3A_467 : memref<1x1x128xi32, #tpu.memory_space<vmem>> -> memref<128xi32, #tpu.memory_space<vmem>>
      %dma_start3A_469 = arith.constant 0 : i32
      %dma_start3A_470 = arith.constant 0 : i32
      %dma_start3A_471 = tpu.memref_slice %arg2[%dma_start3A_469, %dma_start3A_470] : memref<20000x128xf32, #tpu.memory_space<hbm>> -> memref<20000x128xf32, #tpu.memory_space<hbm>>
      tpu.enqueue_indirect_dma source(%dma_start3A_471 : memref<20000x128xf32, #tpu.memory_space<hbm>>) target(%arg8 : memref<128x128xf32, #tpu.memory_space<vmem>>) offsets(%dma_start3A_468 : memref<128xi32, #tpu.memory_space<vmem>>) semaphore(%arg11 : memref<!tpu.dma_semaphore, #tpu.memory_space<semaphore_mem>>)
      %dma_wait3A_472 = arith.constant 0 : i32
      %dma_wait3A_473 = arith.constant 14 : i32
      %dma_wait3A_474 = arith.constant 0 : i32
      %dma_wait3A_475 = tpu.memref_slice %arg6[%dma_wait3A_472, %dma_wait3A_473, %dma_wait3A_474] : memref<2x20x128xi32, #tpu.memory_space<vmem>> -> memref<1x1x128xi32, #tpu.memory_space<vmem>>
      %dma_wait3A_476 = tpu.memref_squeeze %dma_wait3A_475 : memref<1x1x128xi32, #tpu.memory_space<vmem>> -> memref<128xi32, #tpu.memory_space<vmem>>
      %dma_wait3A_477 = arith.constant 0 : i32
      %dma_wait3A_478 = arith.constant 0 : i32
      %dma_wait3A_479 = tpu.memref_slice %arg2[%dma_wait3A_477, %dma_wait3A_478] : memref<20000x128xf32, #tpu.memory_space<hbm>> -> memref<20000x128xf32, #tpu.memory_space<hbm>>
      tpu.wait_indirect_dma semaphore(%arg10 : memref<!tpu.dma_semaphore, #tpu.memory_space<semaphore_mem>>) src(%dma_wait3A_479 : memref<20000x128xf32, #tpu.memory_space<hbm>>) dst(%arg7 : memref<128x128xf32, #tpu.memory_space<vmem>>)
      %dma_start3A_480 = arith.constant 1 : i32
      %dma_start3A_481 = arith.constant 14 : i32
      %dma_start3A_482 = arith.constant 0 : i32
      %dma_start3A_483 = tpu.memref_slice %arg6[%dma_start3A_480, %dma_start3A_481, %dma_start3A_482] : memref<2x20x128xi32, #tpu.memory_space<vmem>> -> memref<1x1x128xi32, #tpu.memory_space<vmem>>
      %dma_start3A_484 = tpu.memref_squeeze %dma_start3A_483 : memref<1x1x128xi32, #tpu.memory_space<vmem>> -> memref<128xi32, #tpu.memory_space<vmem>>
      %dma_start3A_485 = arith.constant 0 : i32
      %dma_start3A_486 = arith.constant 0 : i32
      %dma_start3A_487 = tpu.memref_slice %arg9[%dma_start3A_485, %dma_start3A_486] : memref<10112x128xf32, #tpu.memory_space<vmem_shared>> -> memref<10112x128xf32, #tpu.memory_space<vmem_shared>>
      tpu.enqueue_indirect_dma source(%arg7 : memref<128x128xf32, #tpu.memory_space<vmem>>) target(%dma_start3A_487 : memref<10112x128xf32, #tpu.memory_space<vmem_shared>>) offsets(%dma_start3A_484 : memref<128xi32, #tpu.memory_space<vmem>>) semaphore(%arg12 : memref<!tpu.dma_semaphore, #tpu.memory_space<semaphore_mem>>) {add = true}
      %dma_wait3A_488 = arith.constant 1 : i32
      %dma_wait3A_489 = arith.constant 14 : i32
      %dma_wait3A_490 = arith.constant 0 : i32
      %dma_wait3A_491 = tpu.memref_slice %arg6[%dma_wait3A_488, %dma_wait3A_489, %dma_wait3A_490] : memref<2x20x128xi32, #tpu.memory_space<vmem>> -> memref<1x1x128xi32, #tpu.memory_space<vmem>>
      %dma_wait3A_492 = tpu.memref_squeeze %dma_wait3A_491 : memref<1x1x128xi32, #tpu.memory_space<vmem>> -> memref<128xi32, #tpu.memory_space<vmem>>
      %dma_wait3A_493 = arith.constant 0 : i32
      %dma_wait3A_494 = arith.constant 0 : i32
      %dma_wait3A_495 = tpu.memref_slice %arg9[%dma_wait3A_493, %dma_wait3A_494] : memref<10112x128xf32, #tpu.memory_space<vmem_shared>> -> memref<10112x128xf32, #tpu.memory_space<vmem_shared>>
      tpu.wait_indirect_dma semaphore(%arg12 : memref<!tpu.dma_semaphore, #tpu.memory_space<semaphore_mem>>) src(%arg7 : memref<128x128xf32, #tpu.memory_space<vmem>>) dst(%dma_wait3A_495 : memref<10112x128xf32, #tpu.memory_space<vmem_shared>>)
      %dma_start3A_496 = arith.constant 0 : i32
      %dma_start3A_497 = arith.constant 16 : i32
      %dma_start3A_498 = arith.constant 0 : i32
      %dma_start3A_499 = tpu.memref_slice %arg6[%dma_start3A_496, %dma_start3A_497, %dma_start3A_498] : memref<2x20x128xi32, #tpu.memory_space<vmem>> -> memref<1x1x128xi32, #tpu.memory_space<vmem>>
      %dma_start3A_500 = tpu.memref_squeeze %dma_start3A_499 : memref<1x1x128xi32, #tpu.memory_space<vmem>> -> memref<128xi32, #tpu.memory_space<vmem>>
      %dma_start3A_501 = arith.constant 0 : i32
      %dma_start3A_502 = arith.constant 0 : i32
      %dma_start3A_503 = tpu.memref_slice %arg2[%dma_start3A_501, %dma_start3A_502] : memref<20000x128xf32, #tpu.memory_space<hbm>> -> memref<20000x128xf32, #tpu.memory_space<hbm>>
      tpu.enqueue_indirect_dma source(%dma_start3A_503 : memref<20000x128xf32, #tpu.memory_space<hbm>>) target(%arg7 : memref<128x128xf32, #tpu.memory_space<vmem>>) offsets(%dma_start3A_500 : memref<128xi32, #tpu.memory_space<vmem>>) semaphore(%arg10 : memref<!tpu.dma_semaphore, #tpu.memory_space<semaphore_mem>>)
      %dma_wait3A_504 = arith.constant 0 : i32
      %dma_wait3A_505 = arith.constant 15 : i32
      %dma_wait3A_506 = arith.constant 0 : i32
      %dma_wait3A_507 = tpu.memref_slice %arg6[%dma_wait3A_504, %dma_wait3A_505, %dma_wait3A_506] : memref<2x20x128xi32, #tpu.memory_space<vmem>> -> memref<1x1x128xi32, #tpu.memory_space<vmem>>
      %dma_wait3A_508 = tpu.memref_squeeze %dma_wait3A_507 : memref<1x1x128xi32, #tpu.memory_space<vmem>> -> memref<128xi32, #tpu.memory_space<vmem>>
      %dma_wait3A_509 = arith.constant 0 : i32
      %dma_wait3A_510 = arith.constant 0 : i32
      %dma_wait3A_511 = tpu.memref_slice %arg2[%dma_wait3A_509, %dma_wait3A_510] : memref<20000x128xf32, #tpu.memory_space<hbm>> -> memref<20000x128xf32, #tpu.memory_space<hbm>>
      tpu.wait_indirect_dma semaphore(%arg11 : memref<!tpu.dma_semaphore, #tpu.memory_space<semaphore_mem>>) src(%dma_wait3A_511 : memref<20000x128xf32, #tpu.memory_space<hbm>>) dst(%arg8 : memref<128x128xf32, #tpu.memory_space<vmem>>)
      %dma_start3A_512 = arith.constant 1 : i32
      %dma_start3A_513 = arith.constant 15 : i32
      %dma_start3A_514 = arith.constant 0 : i32
      %dma_start3A_515 = tpu.memref_slice %arg6[%dma_start3A_512, %dma_start3A_513, %dma_start3A_514] : memref<2x20x128xi32, #tpu.memory_space<vmem>> -> memref<1x1x128xi32, #tpu.memory_space<vmem>>
      %dma_start3A_516 = tpu.memref_squeeze %dma_start3A_515 : memref<1x1x128xi32, #tpu.memory_space<vmem>> -> memref<128xi32, #tpu.memory_space<vmem>>
      %dma_start3A_517 = arith.constant 0 : i32
      %dma_start3A_518 = arith.constant 0 : i32
      %dma_start3A_519 = tpu.memref_slice %arg9[%dma_start3A_517, %dma_start3A_518] : memref<10112x128xf32, #tpu.memory_space<vmem_shared>> -> memref<10112x128xf32, #tpu.memory_space<vmem_shared>>
      tpu.enqueue_indirect_dma source(%arg8 : memref<128x128xf32, #tpu.memory_space<vmem>>) target(%dma_start3A_519 : memref<10112x128xf32, #tpu.memory_space<vmem_shared>>) offsets(%dma_start3A_516 : memref<128xi32, #tpu.memory_space<vmem>>) semaphore(%arg13 : memref<!tpu.dma_semaphore, #tpu.memory_space<semaphore_mem>>) {add = true}
      %dma_wait3A_520 = arith.constant 1 : i32
      %dma_wait3A_521 = arith.constant 15 : i32
      %dma_wait3A_522 = arith.constant 0 : i32
      %dma_wait3A_523 = tpu.memref_slice %arg6[%dma_wait3A_520, %dma_wait3A_521, %dma_wait3A_522] : memref<2x20x128xi32, #tpu.memory_space<vmem>> -> memref<1x1x128xi32, #tpu.memory_space<vmem>>
      %dma_wait3A_524 = tpu.memref_squeeze %dma_wait3A_523 : memref<1x1x128xi32, #tpu.memory_space<vmem>> -> memref<128xi32, #tpu.memory_space<vmem>>
      %dma_wait3A_525 = arith.constant 0 : i32
      %dma_wait3A_526 = arith.constant 0 : i32
      %dma_wait3A_527 = tpu.memref_slice %arg9[%dma_wait3A_525, %dma_wait3A_526] : memref<10112x128xf32, #tpu.memory_space<vmem_shared>> -> memref<10112x128xf32, #tpu.memory_space<vmem_shared>>
      tpu.wait_indirect_dma semaphore(%arg13 : memref<!tpu.dma_semaphore, #tpu.memory_space<semaphore_mem>>) src(%arg8 : memref<128x128xf32, #tpu.memory_space<vmem>>) dst(%dma_wait3A_527 : memref<10112x128xf32, #tpu.memory_space<vmem_shared>>)
      %dma_start3A_528 = arith.constant 0 : i32
      %dma_start3A_529 = arith.constant 17 : i32
      %dma_start3A_530 = arith.constant 0 : i32
      %dma_start3A_531 = tpu.memref_slice %arg6[%dma_start3A_528, %dma_start3A_529, %dma_start3A_530] : memref<2x20x128xi32, #tpu.memory_space<vmem>> -> memref<1x1x128xi32, #tpu.memory_space<vmem>>
      %dma_start3A_532 = tpu.memref_squeeze %dma_start3A_531 : memref<1x1x128xi32, #tpu.memory_space<vmem>> -> memref<128xi32, #tpu.memory_space<vmem>>
      %dma_start3A_533 = arith.constant 0 : i32
      %dma_start3A_534 = arith.constant 0 : i32
      %dma_start3A_535 = tpu.memref_slice %arg2[%dma_start3A_533, %dma_start3A_534] : memref<20000x128xf32, #tpu.memory_space<hbm>> -> memref<20000x128xf32, #tpu.memory_space<hbm>>
      tpu.enqueue_indirect_dma source(%dma_start3A_535 : memref<20000x128xf32, #tpu.memory_space<hbm>>) target(%arg8 : memref<128x128xf32, #tpu.memory_space<vmem>>) offsets(%dma_start3A_532 : memref<128xi32, #tpu.memory_space<vmem>>) semaphore(%arg11 : memref<!tpu.dma_semaphore, #tpu.memory_space<semaphore_mem>>)
      %dma_wait3A_536 = arith.constant 0 : i32
      %dma_wait3A_537 = arith.constant 16 : i32
      %dma_wait3A_538 = arith.constant 0 : i32
      %dma_wait3A_539 = tpu.memref_slice %arg6[%dma_wait3A_536, %dma_wait3A_537, %dma_wait3A_538] : memref<2x20x128xi32, #tpu.memory_space<vmem>> -> memref<1x1x128xi32, #tpu.memory_space<vmem>>
      %dma_wait3A_540 = tpu.memref_squeeze %dma_wait3A_539 : memref<1x1x128xi32, #tpu.memory_space<vmem>> -> memref<128xi32, #tpu.memory_space<vmem>>
      %dma_wait3A_541 = arith.constant 0 : i32
      %dma_wait3A_542 = arith.constant 0 : i32
      %dma_wait3A_543 = tpu.memref_slice %arg2[%dma_wait3A_541, %dma_wait3A_542] : memref<20000x128xf32, #tpu.memory_space<hbm>> -> memref<20000x128xf32, #tpu.memory_space<hbm>>
      tpu.wait_indirect_dma semaphore(%arg10 : memref<!tpu.dma_semaphore, #tpu.memory_space<semaphore_mem>>) src(%dma_wait3A_543 : memref<20000x128xf32, #tpu.memory_space<hbm>>) dst(%arg7 : memref<128x128xf32, #tpu.memory_space<vmem>>)
      %dma_start3A_544 = arith.constant 1 : i32
      %dma_start3A_545 = arith.constant 16 : i32
      %dma_start3A_546 = arith.constant 0 : i32
      %dma_start3A_547 = tpu.memref_slice %arg6[%dma_start3A_544, %dma_start3A_545, %dma_start3A_546] : memref<2x20x128xi32, #tpu.memory_space<vmem>> -> memref<1x1x128xi32, #tpu.memory_space<vmem>>
      %dma_start3A_548 = tpu.memref_squeeze %dma_start3A_547 : memref<1x1x128xi32, #tpu.memory_space<vmem>> -> memref<128xi32, #tpu.memory_space<vmem>>
      %dma_start3A_549 = arith.constant 0 : i32
      %dma_start3A_550 = arith.constant 0 : i32
      %dma_start3A_551 = tpu.memref_slice %arg9[%dma_start3A_549, %dma_start3A_550] : memref<10112x128xf32, #tpu.memory_space<vmem_shared>> -> memref<10112x128xf32, #tpu.memory_space<vmem_shared>>
      tpu.enqueue_indirect_dma source(%arg7 : memref<128x128xf32, #tpu.memory_space<vmem>>) target(%dma_start3A_551 : memref<10112x128xf32, #tpu.memory_space<vmem_shared>>) offsets(%dma_start3A_548 : memref<128xi32, #tpu.memory_space<vmem>>) semaphore(%arg12 : memref<!tpu.dma_semaphore, #tpu.memory_space<semaphore_mem>>) {add = true}
      %dma_wait3A_552 = arith.constant 1 : i32
      %dma_wait3A_553 = arith.constant 16 : i32
      %dma_wait3A_554 = arith.constant 0 : i32
      %dma_wait3A_555 = tpu.memref_slice %arg6[%dma_wait3A_552, %dma_wait3A_553, %dma_wait3A_554] : memref<2x20x128xi32, #tpu.memory_space<vmem>> -> memref<1x1x128xi32, #tpu.memory_space<vmem>>
      %dma_wait3A_556 = tpu.memref_squeeze %dma_wait3A_555 : memref<1x1x128xi32, #tpu.memory_space<vmem>> -> memref<128xi32, #tpu.memory_space<vmem>>
      %dma_wait3A_557 = arith.constant 0 : i32
      %dma_wait3A_558 = arith.constant 0 : i32
      %dma_wait3A_559 = tpu.memref_slice %arg9[%dma_wait3A_557, %dma_wait3A_558] : memref<10112x128xf32, #tpu.memory_space<vmem_shared>> -> memref<10112x128xf32, #tpu.memory_space<vmem_shared>>
      tpu.wait_indirect_dma semaphore(%arg12 : memref<!tpu.dma_semaphore, #tpu.memory_space<semaphore_mem>>) src(%arg7 : memref<128x128xf32, #tpu.memory_space<vmem>>) dst(%dma_wait3A_559 : memref<10112x128xf32, #tpu.memory_space<vmem_shared>>)
      %dma_start3A_560 = arith.constant 0 : i32
      %dma_start3A_561 = arith.constant 18 : i32
      %dma_start3A_562 = arith.constant 0 : i32
      %dma_start3A_563 = tpu.memref_slice %arg6[%dma_start3A_560, %dma_start3A_561, %dma_start3A_562] : memref<2x20x128xi32, #tpu.memory_space<vmem>> -> memref<1x1x128xi32, #tpu.memory_space<vmem>>
      %dma_start3A_564 = tpu.memref_squeeze %dma_start3A_563 : memref<1x1x128xi32, #tpu.memory_space<vmem>> -> memref<128xi32, #tpu.memory_space<vmem>>
      %dma_start3A_565 = arith.constant 0 : i32
      %dma_start3A_566 = arith.constant 0 : i32
      %dma_start3A_567 = tpu.memref_slice %arg2[%dma_start3A_565, %dma_start3A_566] : memref<20000x128xf32, #tpu.memory_space<hbm>> -> memref<20000x128xf32, #tpu.memory_space<hbm>>
      tpu.enqueue_indirect_dma source(%dma_start3A_567 : memref<20000x128xf32, #tpu.memory_space<hbm>>) target(%arg7 : memref<128x128xf32, #tpu.memory_space<vmem>>) offsets(%dma_start3A_564 : memref<128xi32, #tpu.memory_space<vmem>>) semaphore(%arg10 : memref<!tpu.dma_semaphore, #tpu.memory_space<semaphore_mem>>)
      %dma_wait3A_568 = arith.constant 0 : i32
      %dma_wait3A_569 = arith.constant 17 : i32
      %dma_wait3A_570 = arith.constant 0 : i32
      %dma_wait3A_571 = tpu.memref_slice %arg6[%dma_wait3A_568, %dma_wait3A_569, %dma_wait3A_570] : memref<2x20x128xi32, #tpu.memory_space<vmem>> -> memref<1x1x128xi32, #tpu.memory_space<vmem>>
      %dma_wait3A_572 = tpu.memref_squeeze %dma_wait3A_571 : memref<1x1x128xi32, #tpu.memory_space<vmem>> -> memref<128xi32, #tpu.memory_space<vmem>>
      %dma_wait3A_573 = arith.constant 0 : i32
      %dma_wait3A_574 = arith.constant 0 : i32
      %dma_wait3A_575 = tpu.memref_slice %arg2[%dma_wait3A_573, %dma_wait3A_574] : memref<20000x128xf32, #tpu.memory_space<hbm>> -> memref<20000x128xf32, #tpu.memory_space<hbm>>
      tpu.wait_indirect_dma semaphore(%arg11 : memref<!tpu.dma_semaphore, #tpu.memory_space<semaphore_mem>>) src(%dma_wait3A_575 : memref<20000x128xf32, #tpu.memory_space<hbm>>) dst(%arg8 : memref<128x128xf32, #tpu.memory_space<vmem>>)
      %dma_start3A_576 = arith.constant 1 : i32
      %dma_start3A_577 = arith.constant 17 : i32
      %dma_start3A_578 = arith.constant 0 : i32
      %dma_start3A_579 = tpu.memref_slice %arg6[%dma_start3A_576, %dma_start3A_577, %dma_start3A_578] : memref<2x20x128xi32, #tpu.memory_space<vmem>> -> memref<1x1x128xi32, #tpu.memory_space<vmem>>
      %dma_start3A_580 = tpu.memref_squeeze %dma_start3A_579 : memref<1x1x128xi32, #tpu.memory_space<vmem>> -> memref<128xi32, #tpu.memory_space<vmem>>
      %dma_start3A_581 = arith.constant 0 : i32
      %dma_start3A_582 = arith.constant 0 : i32
      %dma_start3A_583 = tpu.memref_slice %arg9[%dma_start3A_581, %dma_start3A_582] : memref<10112x128xf32, #tpu.memory_space<vmem_shared>> -> memref<10112x128xf32, #tpu.memory_space<vmem_shared>>
      tpu.enqueue_indirect_dma source(%arg8 : memref<128x128xf32, #tpu.memory_space<vmem>>) target(%dma_start3A_583 : memref<10112x128xf32, #tpu.memory_space<vmem_shared>>) offsets(%dma_start3A_580 : memref<128xi32, #tpu.memory_space<vmem>>) semaphore(%arg13 : memref<!tpu.dma_semaphore, #tpu.memory_space<semaphore_mem>>) {add = true}
      %dma_wait3A_584 = arith.constant 1 : i32
      %dma_wait3A_585 = arith.constant 17 : i32
      %dma_wait3A_586 = arith.constant 0 : i32
      %dma_wait3A_587 = tpu.memref_slice %arg6[%dma_wait3A_584, %dma_wait3A_585, %dma_wait3A_586] : memref<2x20x128xi32, #tpu.memory_space<vmem>> -> memref<1x1x128xi32, #tpu.memory_space<vmem>>
      %dma_wait3A_588 = tpu.memref_squeeze %dma_wait3A_587 : memref<1x1x128xi32, #tpu.memory_space<vmem>> -> memref<128xi32, #tpu.memory_space<vmem>>
      %dma_wait3A_589 = arith.constant 0 : i32
      %dma_wait3A_590 = arith.constant 0 : i32
      %dma_wait3A_591 = tpu.memref_slice %arg9[%dma_wait3A_589, %dma_wait3A_590] : memref<10112x128xf32, #tpu.memory_space<vmem_shared>> -> memref<10112x128xf32, #tpu.memory_space<vmem_shared>>
      tpu.wait_indirect_dma semaphore(%arg13 : memref<!tpu.dma_semaphore, #tpu.memory_space<semaphore_mem>>) src(%arg8 : memref<128x128xf32, #tpu.memory_space<vmem>>) dst(%dma_wait3A_591 : memref<10112x128xf32, #tpu.memory_space<vmem_shared>>)
      %dma_start3A_592 = arith.constant 0 : i32
      %dma_start3A_593 = arith.constant 19 : i32
      %dma_start3A_594 = arith.constant 0 : i32
      %dma_start3A_595 = tpu.memref_slice %arg6[%dma_start3A_592, %dma_start3A_593, %dma_start3A_594] : memref<2x20x128xi32, #tpu.memory_space<vmem>> -> memref<1x1x128xi32, #tpu.memory_space<vmem>>
      %dma_start3A_596 = tpu.memref_squeeze %dma_start3A_595 : memref<1x1x128xi32, #tpu.memory_space<vmem>> -> memref<128xi32, #tpu.memory_space<vmem>>
      %dma_start3A_597 = arith.constant 0 : i32
      %dma_start3A_598 = arith.constant 0 : i32
      %dma_start3A_599 = tpu.memref_slice %arg2[%dma_start3A_597, %dma_start3A_598] : memref<20000x128xf32, #tpu.memory_space<hbm>> -> memref<20000x128xf32, #tpu.memory_space<hbm>>
      tpu.enqueue_indirect_dma source(%dma_start3A_599 : memref<20000x128xf32, #tpu.memory_space<hbm>>) target(%arg8 : memref<128x128xf32, #tpu.memory_space<vmem>>) offsets(%dma_start3A_596 : memref<128xi32, #tpu.memory_space<vmem>>) semaphore(%arg11 : memref<!tpu.dma_semaphore, #tpu.memory_space<semaphore_mem>>)
      %dma_wait3A_600 = arith.constant 0 : i32
      %dma_wait3A_601 = arith.constant 18 : i32
      %dma_wait3A_602 = arith.constant 0 : i32
      %dma_wait3A_603 = tpu.memref_slice %arg6[%dma_wait3A_600, %dma_wait3A_601, %dma_wait3A_602] : memref<2x20x128xi32, #tpu.memory_space<vmem>> -> memref<1x1x128xi32, #tpu.memory_space<vmem>>
      %dma_wait3A_604 = tpu.memref_squeeze %dma_wait3A_603 : memref<1x1x128xi32, #tpu.memory_space<vmem>> -> memref<128xi32, #tpu.memory_space<vmem>>
      %dma_wait3A_605 = arith.constant 0 : i32
      %dma_wait3A_606 = arith.constant 0 : i32
      %dma_wait3A_607 = tpu.memref_slice %arg2[%dma_wait3A_605, %dma_wait3A_606] : memref<20000x128xf32, #tpu.memory_space<hbm>> -> memref<20000x128xf32, #tpu.memory_space<hbm>>
      tpu.wait_indirect_dma semaphore(%arg10 : memref<!tpu.dma_semaphore, #tpu.memory_space<semaphore_mem>>) src(%dma_wait3A_607 : memref<20000x128xf32, #tpu.memory_space<hbm>>) dst(%arg7 : memref<128x128xf32, #tpu.memory_space<vmem>>)
      %dma_start3A_608 = arith.constant 1 : i32
      %dma_start3A_609 = arith.constant 18 : i32
      %dma_start3A_610 = arith.constant 0 : i32
      %dma_start3A_611 = tpu.memref_slice %arg6[%dma_start3A_608, %dma_start3A_609, %dma_start3A_610] : memref<2x20x128xi32, #tpu.memory_space<vmem>> -> memref<1x1x128xi32, #tpu.memory_space<vmem>>
      %dma_start3A_612 = tpu.memref_squeeze %dma_start3A_611 : memref<1x1x128xi32, #tpu.memory_space<vmem>> -> memref<128xi32, #tpu.memory_space<vmem>>
      %dma_start3A_613 = arith.constant 0 : i32
      %dma_start3A_614 = arith.constant 0 : i32
      %dma_start3A_615 = tpu.memref_slice %arg9[%dma_start3A_613, %dma_start3A_614] : memref<10112x128xf32, #tpu.memory_space<vmem_shared>> -> memref<10112x128xf32, #tpu.memory_space<vmem_shared>>
      tpu.enqueue_indirect_dma source(%arg7 : memref<128x128xf32, #tpu.memory_space<vmem>>) target(%dma_start3A_615 : memref<10112x128xf32, #tpu.memory_space<vmem_shared>>) offsets(%dma_start3A_612 : memref<128xi32, #tpu.memory_space<vmem>>) semaphore(%arg12 : memref<!tpu.dma_semaphore, #tpu.memory_space<semaphore_mem>>) {add = true}
      %dma_wait3A_616 = arith.constant 0 : i32
      %dma_wait3A_617 = arith.constant 19 : i32
      %dma_wait3A_618 = arith.constant 0 : i32
      %dma_wait3A_619 = tpu.memref_slice %arg6[%dma_wait3A_616, %dma_wait3A_617, %dma_wait3A_618] : memref<2x20x128xi32, #tpu.memory_space<vmem>> -> memref<1x1x128xi32, #tpu.memory_space<vmem>>
      %dma_wait3A_620 = tpu.memref_squeeze %dma_wait3A_619 : memref<1x1x128xi32, #tpu.memory_space<vmem>> -> memref<128xi32, #tpu.memory_space<vmem>>
      %dma_wait3A_621 = arith.constant 0 : i32
      %dma_wait3A_622 = arith.constant 0 : i32
      %dma_wait3A_623 = tpu.memref_slice %arg2[%dma_wait3A_621, %dma_wait3A_622] : memref<20000x128xf32, #tpu.memory_space<hbm>> -> memref<20000x128xf32, #tpu.memory_space<hbm>>
      tpu.wait_indirect_dma semaphore(%arg11 : memref<!tpu.dma_semaphore, #tpu.memory_space<semaphore_mem>>) src(%dma_wait3A_623 : memref<20000x128xf32, #tpu.memory_space<hbm>>) dst(%arg8 : memref<128x128xf32, #tpu.memory_space<vmem>>)
      %dma_start3A_624 = arith.constant 1 : i32
      %dma_start3A_625 = arith.constant 19 : i32
      %dma_start3A_626 = arith.constant 0 : i32
      %dma_start3A_627 = tpu.memref_slice %arg6[%dma_start3A_624, %dma_start3A_625, %dma_start3A_626] : memref<2x20x128xi32, #tpu.memory_space<vmem>> -> memref<1x1x128xi32, #tpu.memory_space<vmem>>
      %dma_start3A_628 = tpu.memref_squeeze %dma_start3A_627 : memref<1x1x128xi32, #tpu.memory_space<vmem>> -> memref<128xi32, #tpu.memory_space<vmem>>
      %dma_start3A_629 = arith.constant 0 : i32
      %dma_start3A_630 = arith.constant 0 : i32
      %dma_start3A_631 = tpu.memref_slice %arg9[%dma_start3A_629, %dma_start3A_630] : memref<10112x128xf32, #tpu.memory_space<vmem_shared>> -> memref<10112x128xf32, #tpu.memory_space<vmem_shared>>
      tpu.enqueue_indirect_dma source(%arg8 : memref<128x128xf32, #tpu.memory_space<vmem>>) target(%dma_start3A_631 : memref<10112x128xf32, #tpu.memory_space<vmem_shared>>) offsets(%dma_start3A_628 : memref<128xi32, #tpu.memory_space<vmem>>) semaphore(%arg13 : memref<!tpu.dma_semaphore, #tpu.memory_space<semaphore_mem>>) {add = true}
      %dma_wait3A_632 = arith.constant 1 : i32
      %dma_wait3A_633 = arith.constant 18 : i32
      %dma_wait3A_634 = arith.constant 0 : i32
      %dma_wait3A_635 = tpu.memref_slice %arg6[%dma_wait3A_632, %dma_wait3A_633, %dma_wait3A_634] : memref<2x20x128xi32, #tpu.memory_space<vmem>> -> memref<1x1x128xi32, #tpu.memory_space<vmem>>
      %dma_wait3A_636 = tpu.memref_squeeze %dma_wait3A_635 : memref<1x1x128xi32, #tpu.memory_space<vmem>> -> memref<128xi32, #tpu.memory_space<vmem>>
      %dma_wait3A_637 = arith.constant 0 : i32
      %dma_wait3A_638 = arith.constant 0 : i32
      %dma_wait3A_639 = tpu.memref_slice %arg9[%dma_wait3A_637, %dma_wait3A_638] : memref<10112x128xf32, #tpu.memory_space<vmem_shared>> -> memref<10112x128xf32, #tpu.memory_space<vmem_shared>>
      tpu.wait_indirect_dma semaphore(%arg12 : memref<!tpu.dma_semaphore, #tpu.memory_space<semaphore_mem>>) src(%arg7 : memref<128x128xf32, #tpu.memory_space<vmem>>) dst(%dma_wait3A_639 : memref<10112x128xf32, #tpu.memory_space<vmem_shared>>)
      %dma_wait3A_640 = arith.constant 1 : i32
      %dma_wait3A_641 = arith.constant 19 : i32
      %dma_wait3A_642 = arith.constant 0 : i32
      %dma_wait3A_643 = tpu.memref_slice %arg6[%dma_wait3A_640, %dma_wait3A_641, %dma_wait3A_642] : memref<2x20x128xi32, #tpu.memory_space<vmem>> -> memref<1x1x128xi32, #tpu.memory_space<vmem>>
      %dma_wait3A_644 = tpu.memref_squeeze %dma_wait3A_643 : memref<1x1x128xi32, #tpu.memory_space<vmem>> -> memref<128xi32, #tpu.memory_space<vmem>>
      %dma_wait3A_645 = arith.constant 0 : i32
      %dma_wait3A_646 = arith.constant 0 : i32
      %dma_wait3A_647 = tpu.memref_slice %arg9[%dma_wait3A_645, %dma_wait3A_646] : memref<10112x128xf32, #tpu.memory_space<vmem_shared>> -> memref<10112x128xf32, #tpu.memory_space<vmem_shared>>
      tpu.wait_indirect_dma semaphore(%arg13 : memref<!tpu.dma_semaphore, #tpu.memory_space<semaphore_mem>>) src(%arg8 : memref<128x128xf32, #tpu.memory_space<vmem>>) dst(%dma_wait3A_647 : memref<10112x128xf32, #tpu.memory_space<vmem_shared>>)
    }
    %scan3A_5 = arith.constant 8 : i32
    %barrier3A_6 = arith.constant 0 : index
    tpu.barrier barrier_id(%barrier3A_6)
    %lt3A = arith.constant 10 : i32
    %lt3A_7 = arith.cmpi slt, %arg1, %lt3A : i32
    %convert_element_type3A = arith.extui %lt3A_7 : i1 to i32
    %cond3A = arith.constant 0 : i32
    %cond3A_8 = arith.cmpi ne, %convert_element_type3A, %cond3A : i32
    scf.if %cond3A_8 {
      %mul3A_9 = arith.constant 1000 : i32
      %mul3A_10 = arith.muli %arg1, %mul3A_9 : i32
      %mul3A_11 = arith.constant 1000 : i32
      %mul3A_12 = arith.muli %arg1, %mul3A_11 : i32
      "tpu.region"() ({
        %run_scoped3A = tpu.sem_alloc : memref<!tpu.dma_semaphore, #tpu.memory_space<semaphore_mem>>
        %dma_start3A = arith.constant 0 : i32
        %dma_start3A_13 = tpu.memref_slice %arg5[%arg0, %mul3A_12, %dma_start3A] : memref<2x10000x128xf32, #tpu.memory_space<hbm>> -> memref<1x1000x128xf32, #tpu.memory_space<hbm>>
        %dma_start3A_14 = tpu.memref_squeeze %dma_start3A_13 : memref<1x1000x128xf32, #tpu.memory_space<hbm>> -> memref<1000x128xf32, #tpu.memory_space<hbm>>
        %dma_start3A_15 = arith.constant 0 : i32
        %dma_start3A_16 = tpu.memref_slice %arg9[%mul3A_10, %dma_start3A_15] : memref<10112x128xf32, #tpu.memory_space<vmem_shared>> -> memref<1000x128xf32, #tpu.memory_space<vmem_shared>>
        tpu.enqueue_dma source(%dma_start3A_16 : memref<1000x128xf32, #tpu.memory_space<vmem_shared>>) target(%dma_start3A_14 : memref<1000x128xf32, #tpu.memory_space<hbm>>) target_semaphore(%run_scoped3A : memref<!tpu.dma_semaphore, #tpu.memory_space<semaphore_mem>>)
        %dma_wait3A = arith.constant 0 : i32
        %dma_wait3A_17 = tpu.memref_slice %arg5[%arg0, %mul3A_12, %dma_wait3A] : memref<2x10000x128xf32, #tpu.memory_space<hbm>> -> memref<1x1000x128xf32, #tpu.memory_space<hbm>>
        %dma_wait3A_18 = tpu.memref_squeeze %dma_wait3A_17 : memref<1x1000x128xf32, #tpu.memory_space<hbm>> -> memref<1000x128xf32, #tpu.memory_space<hbm>>
        %dma_wait3A_19 = arith.constant 0 : i32
        %dma_wait3A_20 = tpu.memref_slice %arg9[%mul3A_10, %dma_wait3A_19] : memref<10112x128xf32, #tpu.memory_space<vmem_shared>> -> memref<1000x128xf32, #tpu.memory_space<vmem_shared>>
        tpu.wait_dma2 semaphore(%run_scoped3A : memref<!tpu.dma_semaphore, #tpu.memory_space<semaphore_mem>>) src(%dma_wait3A_20 : memref<1000x128xf32, #tpu.memory_space<vmem_shared>>) dst(%dma_wait3A_18 : memref<1000x128xf32, #tpu.memory_space<hbm>>)
        tpu.yield
      }) : () -> ()
    } else {
    }
    return
  }
}

module attributes {stable_mosaic.version = 14 : i64} {
  func.func @_s1_body(%arg0: i32, %arg1: memref<1000x128xf32, #tpu.memory_space<vmem>>, %arg2: memref<1000x128xf32, #tpu.memory_space<vmem>>, %arg3: memref<1000x128xf32, #tpu.memory_space<vmem>>, %arg4: memref<128x384xf32, #tpu.memory_space<vmem>>, %arg5: memref<128x128xf32, #tpu.memory_space<vmem>>, %arg6: memref<1x384xf32, #tpu.memory_space<vmem>>, %arg7: memref<1x128xf32, #tpu.memory_space<vmem>>, %arg8: memref<1000x128xf32, #tpu.memory_space<vmem>>, %arg9: memref<1000x384xf32, #tpu.memory_space<vmem>>) attributes {dimension_semantics = [#tpu.dimension_semantics<arbitrary>], iteration_bounds = array<i64: 10>, scalar_prefetch = 0 : i64, scratch_operands = 0 : i64, tpu.core_type = #tpu.core_type<tc>, window_params = [{transform_indices = @transform_0, window_bounds = array<i64: 1000, 128>}, {transform_indices = @transform_1, window_bounds = array<i64: 1000, 128>}, {transform_indices = @transform_2, window_bounds = array<i64: 1000, 128>}, {pipeline_mode = #tpu.pipeline_mode<synchronous>, transform_indices = @transform_3, window_bounds = array<i64: 128, 384>}, {pipeline_mode = #tpu.pipeline_mode<synchronous>, transform_indices = @transform_4, window_bounds = array<i64: 128, 128>}, {pipeline_mode = #tpu.pipeline_mode<synchronous>, transform_indices = @transform_5, window_bounds = array<i64: 1, 384>}, {pipeline_mode = #tpu.pipeline_mode<synchronous>, transform_indices = @transform_6, window_bounds = array<i64: 1, 128>}, {transform_indices = @transform_7, window_bounds = array<i64: 1000, 128>}, {transform_indices = @transform_8, window_bounds = array<i64: 1000, 384>}]} {
    %get3A = arith.constant 0 : index
    %get3A_0 = arith.constant 0 : index
    %get3A_1 = vector.load %arg2[%get3A, %get3A_0] : memref<1000x128xf32, #tpu.memory_space<vmem>>, vector<1000x128xf32>
    %get3A_2 = arith.constant 0 : index
    %get3A_3 = arith.constant 0 : index
    %get3A_4 = vector.load %arg5[%get3A_2, %get3A_3] : memref<128x128xf32, #tpu.memory_space<vmem>>, vector<128x128xf32>
    %dot_general3A = arith.constant dense<0.000000e+00> : vector<1000x128xf32>
    %dot_general3A_5 = tpu.matmul %get3A_1, %get3A_4, %dot_general3A {dimension_numbers = #tpu.dot_dimension_numbers<[1], [0], [0], [1], [0, 0, 1, 1], [], []>, transpose_lhs_hint = false} : vector<1000x128xf32>, vector<128x128xf32>, vector<1000x128xf32> -> vector<1000x128xf32>
    %get3A_6 = arith.constant 0 : index
    %get3A_7 = arith.constant 0 : index
    %get3A_8 = vector.load %arg7[%get3A_6, %get3A_7] : memref<1x128xf32, #tpu.memory_space<vmem>>, vector<1x128xf32>
    %add3A = vector.broadcast %get3A_8 : vector<1x128xf32> to vector<1000x128xf32>
    %add3A_9 = arith.addf %dot_general3A_5, %add3A : vector<1000x128xf32>
    %logistic3A = arith.negf %add3A_9 : vector<1000x128xf32>
    %logistic3A_10 = math.exp %logistic3A : vector<1000x128xf32>
    %logistic3A_11 = arith.constant 1.000000e+00 : f32
    %logistic3A_12 = vector.broadcast %logistic3A_11 : f32 to vector<1000x128xf32>
    %logistic3A_13 = arith.addf %logistic3A_12, %logistic3A_10 : vector<1000x128xf32>
    %logistic3A_14 = arith.divf %logistic3A_12, %logistic3A_13 : vector<1000x128xf32>
    %get3A_15 = arith.constant 0 : index
    %get3A_16 = arith.constant 0 : index
    %get3A_17 = vector.load %arg3[%get3A_15, %get3A_16] : memref<1000x128xf32, #tpu.memory_space<vmem>>, vector<1000x128xf32>
    %mul3A = arith.mulf %logistic3A_14, %get3A_17 : vector<1000x128xf32>
    %swap3A = arith.constant 0 : index
    %swap3A_18 = arith.constant 0 : index
    %swap3A_19 = vector.load %arg8[%swap3A, %swap3A_18] : memref<1000x128xf32, #tpu.memory_space<vmem>>, vector<1000x128xf32>
    tpu.vector_store %arg8[%swap3A, %swap3A_18], %mul3A {strides = array<i32>} : memref<1000x128xf32, #tpu.memory_space<vmem>>, vector<1000x128xf32>,
    %get3A_20 = arith.constant 0 : index
    %get3A_21 = arith.constant 0 : index
    %get3A_22 = vector.load %arg1[%get3A_20, %get3A_21] : memref<1000x128xf32, #tpu.memory_space<vmem>>, vector<1000x128xf32>
    %get3A_23 = arith.constant 0 : index
    %get3A_24 = arith.constant 0 : index
    %get3A_25 = vector.load %arg4[%get3A_23, %get3A_24] : memref<128x384xf32, #tpu.memory_space<vmem>>, vector<128x384xf32>
    %dot_general3A_26 = arith.constant dense<0.000000e+00> : vector<1000x384xf32>
    %dot_general3A_27 = tpu.matmul %get3A_22, %get3A_25, %dot_general3A_26 {dimension_numbers = #tpu.dot_dimension_numbers<[1], [0], [0], [1], [0, 0, 1, 1], [], []>, transpose_lhs_hint = false} : vector<1000x128xf32>, vector<128x384xf32>, vector<1000x384xf32> -> vector<1000x384xf32>
    %get3A_28 = arith.constant 0 : index
    %get3A_29 = arith.constant 0 : index
    %get3A_30 = vector.load %arg6[%get3A_28, %get3A_29] : memref<1x384xf32, #tpu.memory_space<vmem>>, vector<1x384xf32>
    %add3A_31 = vector.broadcast %get3A_30 : vector<1x384xf32> to vector<1000x384xf32>
    %add3A_32 = arith.addf %dot_general3A_27, %add3A_31 : vector<1000x384xf32>
    %swap3A_33 = arith.constant 0 : index
    %swap3A_34 = arith.constant 0 : index
    %swap3A_35 = vector.load %arg9[%swap3A_33, %swap3A_34] : memref<1000x384xf32, #tpu.memory_space<vmem>>, vector<1000x384xf32>
    tpu.vector_store %arg9[%swap3A_33, %swap3A_34], %add3A_32 {strides = array<i32>} : memref<1000x384xf32, #tpu.memory_space<vmem>>, vector<1000x384xf32>,
    return
  }
  func.func @transform_0(%arg0: i32) -> (i32, i32) {
    %c0_i32 = arith.constant 0 : i32
    %c0_i32_0 = arith.constant 0 : i32
    return %arg0, %c0_i32 : i32, i32
  }
  func.func @transform_1(%arg0: i32) -> (i32, i32) {
    %c0_i32 = arith.constant 0 : i32
    %c0_i32_0 = arith.constant 0 : i32
    return %arg0, %c0_i32 : i32, i32
  }
  func.func @transform_2(%arg0: i32) -> (i32, i32) {
    %c0_i32 = arith.constant 0 : i32
    %c0_i32_0 = arith.constant 0 : i32
    return %arg0, %c0_i32 : i32, i32
  }
  func.func @transform_3(%arg0: i32) -> (i32, i32) {
    %c0_i32 = arith.constant 0 : i32
    %c0_i32_0 = arith.constant 0 : i32
    %c0_i32_1 = arith.constant 0 : i32
    return %c0_i32, %c0_i32_0 : i32, i32
  }
  func.func @transform_4(%arg0: i32) -> (i32, i32) {
    %c0_i32 = arith.constant 0 : i32
    %c0_i32_0 = arith.constant 0 : i32
    %c0_i32_1 = arith.constant 0 : i32
    return %c0_i32, %c0_i32_0 : i32, i32
  }
  func.func @transform_5(%arg0: i32) -> (i32, i32) {
    %c0_i32 = arith.constant 0 : i32
    %c0_i32_0 = arith.constant 0 : i32
    %c0_i32_1 = arith.constant 0 : i32
    return %c0_i32, %c0_i32_0 : i32, i32
  }
  func.func @transform_6(%arg0: i32) -> (i32, i32) {
    %c0_i32 = arith.constant 0 : i32
    %c0_i32_0 = arith.constant 0 : i32
    %c0_i32_1 = arith.constant 0 : i32
    return %c0_i32, %c0_i32_0 : i32, i32
  }
  func.func @transform_7(%arg0: i32) -> (i32, i32) {
    %c0_i32 = arith.constant 0 : i32
    %c0_i32_0 = arith.constant 0 : i32
    return %arg0, %c0_i32 : i32, i32
  }
  func.func @transform_8(%arg0: i32) -> (i32, i32) {
    %c0_i32 = arith.constant 0 : i32
    %c0_i32_0 = arith.constant 0 : i32
    return %arg0, %c0_i32 : i32, i32
  }
}

module attributes {stable_mosaic.version = 14 : i64} {
  func.func @_s3_body(%arg0: i32, %arg1: memref<1000x384xf32, #tpu.memory_space<vmem>>, %arg2: memref<1000x128xf32, #tpu.memory_space<vmem>>, %arg3: memref<128x384xf32, #tpu.memory_space<vmem>>, %arg4: memref<1000x128xf32, #tpu.memory_space<vmem>>, %arg5: memref<1000x128xf32, #tpu.memory_space<vmem>>, %arg6: memref<1000x128xf32, #tpu.memory_space<vmem>>) attributes {dimension_semantics = [#tpu.dimension_semantics<arbitrary>], iteration_bounds = array<i64: 10>, scalar_prefetch = 0 : i64, scratch_operands = 0 : i64, tpu.core_type = #tpu.core_type<tc>, window_params = [{transform_indices = @transform_0, window_bounds = array<i64: 1000, 384>}, {transform_indices = @transform_1, window_bounds = array<i64: 1000, 128>}, {pipeline_mode = #tpu.pipeline_mode<synchronous>, transform_indices = @transform_2, window_bounds = array<i64: 128, 384>}, {transform_indices = @transform_3, window_bounds = array<i64: 1000, 128>}, {transform_indices = @transform_4, window_bounds = array<i64: 1000, 128>}, {transform_indices = @transform_5, window_bounds = array<i64: 1000, 128>}]} {
    %get3A = arith.constant 0 : index
    %get3A_0 = arith.constant 0 : index
    %get3A_1 = vector.load %arg1[%get3A, %get3A_0] : memref<1000x384xf32, #tpu.memory_space<vmem>>, vector<1000x384xf32>
    %get3A_2 = arith.constant 0 : index
    %get3A_3 = arith.constant 0 : index
    %get3A_4 = vector.load %arg2[%get3A_2, %get3A_3] : memref<1000x128xf32, #tpu.memory_space<vmem>>, vector<1000x128xf32>
    %get3A_5 = arith.constant 0 : index
    %get3A_6 = arith.constant 0 : index
    %get3A_7 = vector.load %arg3[%get3A_5, %get3A_6] : memref<128x384xf32, #tpu.memory_space<vmem>>, vector<128x384xf32>
    %dot_general3A = arith.constant dense<0.000000e+00> : vector<1000x384xf32>
    %dot_general3A_8 = tpu.matmul %get3A_4, %get3A_7, %dot_general3A {dimension_numbers = #tpu.dot_dimension_numbers<[1], [0], [0], [1], [0, 0, 1, 1], [], []>, transpose_lhs_hint = false} : vector<1000x128xf32>, vector<128x384xf32>, vector<1000x384xf32> -> vector<1000x384xf32>
    %add3A = arith.addf %get3A_1, %dot_general3A_8 : vector<1000x384xf32>
    %slice3A = vector.extract_strided_slice %add3A {offsets = [0, 0], sizes = [1000, 128], strides = [1, 1]} : vector<1000x384xf32> to vector<1000x128xf32>
    %logistic3A = arith.negf %slice3A : vector<1000x128xf32>
    %logistic3A_9 = math.exp %logistic3A : vector<1000x128xf32>
    %logistic3A_10 = arith.constant 1.000000e+00 : f32
    %logistic3A_11 = vector.broadcast %logistic3A_10 : f32 to vector<1000x128xf32>
    %logistic3A_12 = arith.addf %logistic3A_11, %logistic3A_9 : vector<1000x128xf32>
    %logistic3A_13 = arith.divf %logistic3A_11, %logistic3A_12 : vector<1000x128xf32>
    %slice3A_14 = vector.extract_strided_slice %add3A {offsets = [0, 128], sizes = [1000, 128], strides = [1, 1]} : vector<1000x384xf32> to vector<1000x128xf32>
    %logistic3A_15 = arith.negf %slice3A_14 : vector<1000x128xf32>
    %logistic3A_16 = math.exp %logistic3A_15 : vector<1000x128xf32>
    %logistic3A_17 = arith.constant 1.000000e+00 : f32
    %logistic3A_18 = vector.broadcast %logistic3A_17 : f32 to vector<1000x128xf32>
    %logistic3A_19 = arith.addf %logistic3A_18, %logistic3A_16 : vector<1000x128xf32>
    %logistic3A_20 = arith.divf %logistic3A_18, %logistic3A_19 : vector<1000x128xf32>
    %slice3A_21 = vector.extract_strided_slice %add3A {offsets = [0, 256], sizes = [1000, 128], strides = [1, 1]} : vector<1000x384xf32> to vector<1000x128xf32>
    %tanh3A = math.tanh %slice3A_21 : vector<1000x128xf32>
    %mul3A = arith.mulf %logistic3A_13, %tanh3A : vector<1000x128xf32>
    %get3A_22 = arith.constant 0 : index
    %get3A_23 = arith.constant 0 : index
    %get3A_24 = vector.load %arg4[%get3A_22, %get3A_23] : memref<1000x128xf32, #tpu.memory_space<vmem>>, vector<1000x128xf32>
    %add3A_25 = arith.addf %mul3A, %get3A_24 : vector<1000x128xf32>
    %swap3A = arith.constant 0 : index
    %swap3A_26 = arith.constant 0 : index
    %swap3A_27 = vector.load %arg6[%swap3A, %swap3A_26] : memref<1000x128xf32, #tpu.memory_space<vmem>>, vector<1000x128xf32>
    tpu.vector_store %arg6[%swap3A, %swap3A_26], %add3A_25 {strides = array<i32>} : memref<1000x128xf32, #tpu.memory_space<vmem>>, vector<1000x128xf32>,
    %tanh3A_28 = math.tanh %add3A_25 : vector<1000x128xf32>
    %mul3A_29 = arith.mulf %logistic3A_20, %tanh3A_28 : vector<1000x128xf32>
    %swap3A_30 = arith.constant 0 : index
    %swap3A_31 = arith.constant 0 : index
    %swap3A_32 = vector.load %arg5[%swap3A_30, %swap3A_31] : memref<1000x128xf32, #tpu.memory_space<vmem>>, vector<1000x128xf32>
    tpu.vector_store %arg5[%swap3A_30, %swap3A_31], %mul3A_29 {strides = array<i32>} : memref<1000x128xf32, #tpu.memory_space<vmem>>, vector<1000x128xf32>,
    return
  }
  func.func @transform_0(%arg0: i32) -> (i32, i32) {
    %c0_i32 = arith.constant 0 : i32
    %c0_i32_0 = arith.constant 0 : i32
    return %arg0, %c0_i32 : i32, i32
  }
  func.func @transform_1(%arg0: i32) -> (i32, i32) {
    %c0_i32 = arith.constant 0 : i32
    %c0_i32_0 = arith.constant 0 : i32
    return %arg0, %c0_i32 : i32, i32
  }
  func.func @transform_2(%arg0: i32) -> (i32, i32) {
    %c0_i32 = arith.constant 0 : i32
    %c0_i32_0 = arith.constant 0 : i32
    %c0_i32_1 = arith.constant 0 : i32
    return %c0_i32, %c0_i32_0 : i32, i32
  }
  func.func @transform_3(%arg0: i32) -> (i32, i32) {
    %c0_i32 = arith.constant 0 : i32
    %c0_i32_0 = arith.constant 0 : i32
    return %arg0, %c0_i32 : i32, i32
  }
  func.func @transform_4(%arg0: i32) -> (i32, i32) {
    %c0_i32 = arith.constant 0 : i32
    %c0_i32_0 = arith.constant 0 : i32
    return %arg0, %c0_i32 : i32, i32
  }
  func.func @transform_5(%arg0: i32) -> (i32, i32) {
    %c0_i32 = arith.constant 0 : i32
    %c0_i32_0 = arith.constant 0 : i32
    return %arg0, %c0_i32 : i32, i32
  }
}

</mosaic_0001>

<sc_bundles>
// kernel: kernel.5.cloned.1.call-start
scs
__scs_entry_jumppad:
0x0: {  	(pc) =	sbr.rel $0x88, $3  }
0x1: {  	(tag) =	ssettag $0x0;
	lr =	simm.s32 $0x1  }
0x2: {  	[smem:$0x3F98] =	sst lr;
	_ =	strace $0xD0000000  }
0x3: {  	_ = 	snop  }
0x4: {  	_ = 	snop  }
0x5: {  	_ = 	snop  }
0x6: {  	_ = 	snop  }
0x7: {  	_ = 	snop  }
__scs_overlays_trampoline_lowered:
0x8: {  	[smem:$0x3FA7] =	sst s0  }
0x9: {  	[smem:$0x3FA8] =	sst s1  }
0xa: {  	[smem:$0x3FA9] =	sst s2  }
0xb: {  	[smem:$0x3FAA] =	sst s3  }
0xc: {  	[smem:$0x3FAB] =	sst s4  }
0xd: {  	[smem:$0x3FAC] =	sst s5  }
0xe: {  	[smem:$0x3FAD] =	sst s6  }
0xf: {  	[smem:$0x3FAE] =	sst s7  }
0x10: {  	[smem:$0x3FAF] =	sst s8  }
0x11: {  	[smem:$0x3FB0] =	sst s9;
	s0 =	simm.s32 @!p0 $0x0  }
0x12: {  	s1 =	sld [smem:$0x3F96];
	s0 =	simm.s32 @p0 $0x1  }
0x13: {  	[smem:$0x3FB1] =	sst s0;
	s0 =	simm.s32 @!p1 $0x0  }
0x14: {  	s2 =	sld [smem:$0x3F95];
	s0 =	simm.s32 @p1 $0x1  }
0x15: {  	[smem:$0x3FB2] =	sst s0;
	s0 =	simm.s32 @!p2 $0x0  }
0x16: {  	s3 =	sld [smem:$0x3FDB];
	s0 =	simm.s32 @p2 $0x1  }
0x17: {  	s4 =	simm.s32 $0x1BF5;
	[smem:$0x3FB4] =	sst s0  }
0x18: {  	s0 =	sld [smem:$0x3F97];
	_ =	swait.ge [sflag:s4], $0x0  }
0x19: {  	s7 =	sld [smem:$0x3F98]  }
0x1a: {  	s8 =	sadd.s32 $0xFFFFE003, lr  }
0x1b: {  	s9 =	sadd.s32 $0xFFFFFEF7, lr;
	s5 =	simm.s32 $0xFFFFFFFF;
	p2 =	slt.u32 s8, $0xFFFFF086  }
0x1c: {  	p1 =	slt.u32 s9, $0xF7A;
	s5 =	simm.s32 @!p2 $0x0  }
0x1d: {  	s5 =	simm.s32 @p1 $0x1;
	p0 =	seq.s32 s7, s2  }
0x1e: {  	s7 =	smul.u32 @!p0 $0xF7A, s2;
	p2 =	seq.s32 @!p0 s5, $0x0  }
0x1f: {  	s9 =	smul.u32 $0xF7A, s1;
	s8 =	simm.s32 @!p0 $0x1BF5;
	p2 =	por !p2, p0  }
0x20: {  	[sflag:s8] =	ssyncset.s32 @!p0 $0xFFFFF086;
	s6 =	sadd.s32 @!p0 s3, s7;
	s7 =	simm.s32 @!p0 $0x108  }
0x21: {  	s3 =	sadd.s32 s3, s9;
	s6 =	sadd.s32 @!p0 $0x88, s6;
	s7 =	simm.s32 @p2 $0x1082  }
0x22: {  	[simem:s7], [sflag:s8] =	dma.local @!p0 [hbm:s6], $0xF7A  }
0x23: {  	s9 =	sor.u32 $0xD0000000, s2;
	s6 =	simm.s32 $0x108;
	_ =	swait.ge @!p0 [sflag:s8], $0x0  }
0x24: {  	s3 =	sadd.s32 $0x88, s3;
	s6 =	simm.s32 @!p1 $0x1082;
	[sflag:s4] =	ssyncset.s32 $0xFFFFF086  }
0x25: {  	[simem:s6], [sflag:s4] =	dma.local [hbm:s3], $0xF7A  }
0x26: {  	[smem:$0x3F98] =	sst s1;
	(tag) =	ssettag s2;
	_ =	strace s9  }
0x27: {  	s1 =	sld [smem:$0x3FA8]  }
0x28: {  	s2 =	sld [smem:$0x3FA9]  }
0x29: {  	s4 =	sld [smem:$0x3FAB]  }
0x2a: {  	p0 =	seq.s32 s5, $0x0;
	s5 =	sld [smem:$0x3FAC]  }
0x2b: {  	s6 =	sld [smem:$0x3FAD]  }
0x2c: {  	s7 =	sld [smem:$0x3FAE]  }
0x2d: {  	s3 =	simm.s32 $0x108;
	s8 =	sld [smem:$0x3FAF]  }
0x2e: {  	s3 =	simm.s32 @!p0 $0x1082;
	s9 =	sld [smem:$0x3FB0]  }
0x2f: {  	lr =	sadd.s32 s0, s3;
	s0 =	sld [smem:$0x3FA7]  }
0x30: {  	s3 =	sld [smem:$0x3FAA]  }
0x31: {  	[smem:$0x3FB3] =	sst s10  }
0x32: {  	s10 =	sld [smem:$0x3FB1];
	_ =	sdelay $0x3  }
0x33: {  	p0 =	seq.s32 s10, $0x1;
	s10 =	sld [smem:$0x3FB3];
	_ =	sdelay $0x3  }
0x34: {  	[smem:$0x3FB3] =	sst s10  }
0x35: {  	s10 =	sld [smem:$0x3FB2];
	_ =	sdelay $0x3  }
0x36: {  	p1 =	seq.s32 s10, $0x1;
	s10 =	sld [smem:$0x3FB3];
	_ =	sdelay $0x3  }
0x37: {  	[smem:$0x3FB3] =	sst s10  }
0x38: {  	s10 =	sld [smem:$0x3FB4]  }
0x39: {  	_ = 	snop;
	(pc) =	sbr.ind lr, $3  }
0x3a: {  	_ = 	snop  }
0x3b: {  	_ = 	snop  }
0x3c: {  	p2 =	seq.s32 s10, $0x1;
	s10 =	sld [smem:$0x3FB3]  }
0x3d: {  	_ =	shalt  }
0x3e: {  	_ =	shalt  }
0x3f: {  	_ =	shalt  }
0x40: {  	_ =	shalt  }
0x41: {  	_ =	shalt  }
0x42: {  	_ =	shalt  }
0x43: {  	_ =	shalt  }
0x44: {  	_ =	shalt  }
0x45: {  	_ =	shalt  }
0x46: {  	_ =	shalt  }
0x47: {  	_ =	shalt  }
0x48: {  	_ =	shalt  }
0x49: {  	_ =	shalt  }
0x4a: {  	_ =	shalt  }
0x4b: {  	_ =	shalt  }
0x4c: {  	_ =	shalt  }
0x4d: {  	_ =	shalt  }
0x4e: {  	_ =	shalt  }
0x4f: {  	_ =	shalt  }
0x50: {  	_ =	shalt  }
0x51: {  	_ =	shalt  }
0x52: {  	_ =	shalt  }
0x53: {  	_ =	shalt  }
0x54: {  	_ =	shalt  }
0x55: {  	_ =	shalt  }
0x56: {  	_ =	shalt  }
0x57: {  	_ =	shalt  }
0x58: {  	_ =	shalt  }
0x59: {  	_ =	shalt  }
0x5a: {  	_ =	shalt  }
0x5b: {  	_ =	shalt  }
0x5c: {  	_ =	shalt  }
0x5d: {  	_ =	shalt  }
0x5e: {  	_ =	shalt  }
0x5f: {  	_ =	shalt  }
0x60: {  	_ =	shalt  }
0x61: {  	_ =	shalt  }
0x62: {  	_ =	shalt  }
0x63: {  	_ =	shalt  }
0x64: {  	_ =	shalt  }
0x65: {  	_ =	shalt  }
0x66: {  	_ =	shalt  }
0x67: {  	_ =	shalt  }
0x68: {  	_ =	shalt  }
0x69: {  	_ =	shalt  }
0x6a: {  	_ =	shalt  }
0x6b: {  	_ =	shalt  }
0x6c: {  	_ =	shalt  }
0x6d: {  	_ =	shalt  }
0x6e: {  	_ =	shalt  }
0x6f: {  	_ =	shalt  }
0x70: {  	_ =	shalt  }
0x71: {  	_ =	shalt  }
0x72: {  	_ =	shalt  }
0x73: {  	_ =	shalt  }
0x74: {  	_ =	shalt  }
0x75: {  	_ =	shalt  }
0x76: {  	_ =	shalt  }
0x77: {  	_ =	shalt  }
0x78: {  	_ =	shalt  }
0x79: {  	_ =	shalt  }
0x7a: {  	_ =	shalt  }
0x7b: {  	_ =	shalt  }
0x7c: {  	_ =	shalt  }
0x7d: {  	_ =	shalt  }
0x7e: {  	_ =	shalt  }
0x7f: {  	_ =	shalt  }
0x80: {  	_ =	shalt  }
0x81: {  	_ =	shalt  }
0x82: {  	_ =	shalt  }
0x83: {  	_ =	shalt  }
0x84: {  	_ =	shalt  }
0x85: {  	_ =	shalt  }
0x86: {  	_ =	shalt  }
0x87: {  	_ =	shalt  }
.Lfunc_end0:
.L_simem_size_0:
called_computation_lowered:
.L_overlay_start_0:
0x88: {  	s2 =	sld [smem:$0x3FD9]  }
0x89: {  	s3 =	sld [smem:$0x3FFE];
	_ =	sdelay $0x1  }
0x8a: {  	s1 =	srdreg.scid  }
0x8b: {  	s0 =	sand.u32 $0x1, s1  }
0x8c: {  	s14 =	sshll.u32 s0, $0xA;
	s2 =	sadd.s32 s3, s2  }
0x8d: {  	s2 =	sadd.s32 s2, s14  }
0x8e: {  	[smem:$0x3FBF] =	sst s2  }
0x8f: {  	_ = 	snop  }
0x90: {  	s2 =	sld [smem:$0x3FD0];
	_ =	sdelay $0x2  }
0x91: {  	s15 =	simm.s32 $0xA;
	s4 =	simm.s32 $0x10  }
0x92: {  	[smem:s4], [sflag:s15] =	dma.local [hbm:s2], $0x1  }
0x93: {  	_ =	swait.eq [sflag:s15], $0x1  }
0x94: {  	[sflag:s15] =	ssyncset.done $0x0  }
0x95: {  	[sflag:s15] =	ssyncadd.s32 $0xFFFFFFFF  }
0x96: {  	s16 =	sld [smem:$0x11];
	(tm) =	ssettm $0x1  }
0x97: {  	s17 =	sld [smem:$0x3FFB];
	_ =	sdelay $0x3  }
0x98: {  	_ =	strace s17  }
0x99: {  	s3 =	sld [smem:$0x3FFC];
	_ =	sdelay $0x3  }
0x9a: {  	_ =	strace s3  }
0x9b: {  	s3 =	sld [smem:$0x3FFD];
	_ =	sdelay $0x3  }
0x9c: {  	_ =	strace s3  }
0x9d: {  	_ =	strace $0x8FFFFFFF  }
0x9e: {  	s18 =	sld [smem:$0x3FDB];
	_ =	sdelay $0x1  }
0x9f: {  	s19 =	simm.s32 $_scs_section_size  }
0xa0: {  	s5 =	simm.s32 $_size__tile_overlayer_lowered;
	s6 =	simm.s32 $_tile_overlayer_lowered  }
0xa1: {  	s22 =	simm.s32 $0x1BFF;
	s21 =	sshll.u32 s6, $0x1;
	s3 =	sadd.s32 s19, s18  }
0xa2: {  	s7 =	simm.s32 $0x0;
	s20 =	sshll.u32 s5, $0x1;
	s5 =	sadd.s32 s21, s3  }
0xa3: {  	[timem:s7], [sflag:s22] =	dma.local [hbm:s5], s20  }
0xa4: {  	_ =	swait.ge [sflag:s22], s20  }
0xa5: {  	s4 =	ssub.s32 $0x0, s20;
	[sflag:s22] =	ssyncset.done $0x0  }
0xa6: {  	[sflag:s22] =	ssyncadd.s32 s4;
	_ =	sdelay $0x1  }
0xa7: {  	s23 =	simm.s32 $0x1B8B  }
0xa8: {  	_ =	swait.ge [sflag:s23], $0x1  }
0xa9: {  	[sflag:s23] =	ssyncset.done $0x0  }
0xaa: {  	s25 =	simm.s32 $0x1B8E;
	s24 =	sld [smem:$0x3FFE];
	[sflag:s23] =	ssyncadd.s32 $0xFFFFFFFF  }
0xab: {  	s26 =	simm.s32 $execute0_lowered;
	[smem:$0x3FD2] =	sst s25  }
0xac: {  	s5 =	sshll.u32 s26, $0x1;
	_ =	strace $0x80000046;
	[dreg:$0x1] =	wrdreg $0xFFFFFFFF  }
0xad: {  	s28 =	simm.s32 $_size_execute0_lowered;
	s3 =	sadd.s32 s3, s5;
	[dreg:$0x0] =	wrdreg $0x0  }
0xae: {  	s5 =	sshll.u32 s28, $0x1;
	[dreg:$0x2] =	wrdreg s3  }
0xaf: {  	[dreg:$0x3] =	wrdreg s5  }
0xb0: {  	[dreg:$0x4] =	wrdreg $0xC0  }
0xb1: {  	_ =	task [dreg:s7], $0x5FFFF  }
0xb2: {  	[dreg:$0x1] =	wrdreg $0xFFFFFFFF  }
0xb3: {  	[dreg:$0x0] =	wrdreg $0x60  }
0xb4: {  	[dreg:$0x2] =	wrdreg s24  }
0xb5: {  	[dreg:$0x3] =	wrdreg s16  }
0xb6: {  	[dreg:$0x4] =	wrdreg $0x98000  }
0xb7: {  	[dreg:$0x5] =	wrdreg $0x9  }
0xb8: {  	_ =	task.clear_ibuf [dreg:s7], $0x6FFFF;
	_ =	strace $0x90000046  }
0xb9: {  	s29 =	simm.s32 $0x9;
	_ =	strace $0x80000048  }
0xba: {  	_ =	swait.ge [sflag:s29], $0x1  }
0xbb: {  	[sflag:s29] =	ssyncadd.s32 $0xFFFFFFFF  }
0xbc: {  	_ =	strace $0x90000048  }
0xbd: {  	_ =	sfence  }
0xbe: {  	s30 =	sld [smem:$0x0];
	_ =	sdelay $0x2  }
0xbf: {  	s31 =	sshll.u32 s1, $0xD;
	s1 =	sshrl.u32 s1, $0x2  }
0xc0: {  	s3 =	sand.u32 $0x4000, s31;
	s1 =	sadd.s32 s1, s30  }
0xc1: {  	s0 =	sor.u32 s3, s0;
	s1 =	sshll.u32 s1, $0x11  }
0xc2: {  	s0 =	sor.u32 s1, s0  }
0xc3: {  	s0 =	sadd.s32 $0x8F2B, s0  }
0xc4: {  	[sflag:s0] =	ssyncadd.remote.s32 $0x1  }
0xc5: {  	_ =	sfence.sel $0xFFFF  }
0xc6: {  	[dreg:$0x0] =	wrdreg $0xFFFFFFFF;
	(pc) =	sbr.abs _section_cstart, $3  }
0xc7: {  	[dreg:$0x1] =	wrdreg $0xFFFFFFFF  }
0xc8: {  	_ =	task.clear_ibuf [dreg:s7], $0x2FFFF;
	_ =	strace $0x9FFFFFFF  }
0xc9: {  	(tm) =	ssettm $0x7FFFFFFF  }
tec
execute0_lowered:
.L_overlay_start_1:
0x0: {  	(tag) =	ssettag $0x1  }
0x1: {  	s0 =	rddreg [dreg:$0x0]  }
0x2: {  	s1 =	srdreg.scid;
	s8 =	stileid.u32  }
0x3: {  	s3 =	rddreg [dreg:$0x2];
	s4 =	simm.s32 $0x0;
	s16 =	simm.s32 $0x100  }
0x4: {  	s17 =	simm.s32 $0xC80;
	s19 =	simm.s32 $0x180;
	s20 =	simm.s32 $0xD00  }
0x5: {  	s21 =	simm.s32 $0x200;
	s23 =	simm.s32 $0xD80;
	[smem:$0x7FF] =	sst s4  }
0x6: {  	s24 =	simm.s32 $0x280;
	_ =	strace $0x80000047;
	[dreg:$0x5] =	wrdreg s16  }
0x7: {  	s26 =	simm.s32 $0xE00;
	s10 =	simm.s32 $0x300;
	[dreg:$0x6] =	wrdreg s17  }
0x8: {  	s12 =	simm.s32 $0xE80;
	s13 =	simm.s32 $0x380;
	[dreg:$0x7] =	wrdreg s19  }
0x9: {  	s28 =	simm.s32 $0x1380;
	s29 =	simm.s32 $0x880;
	[dreg:$0x8] =	wrdreg s20  }
0xa: {  	s30 =	simm.s32 $0x1400;
	s5 =	smul.u32 $0xC000, s8;
	[dreg:$0x9] =	wrdreg s21  }
0xb: {  	s31 =	simm.s32 $0x900;
	s15 =	smul.u32 $0x1F400, s8;
	[dreg:$0xa] =	wrdreg s23  }
0xc: {  	s1 =	sand.u32 $0x1, s1;
	s7 =	smul.u32 $0x4F000, s8;
	[dreg:$0xb] =	wrdreg s24  }
0xd: {  	s25 =	sshll.u32 s8, $0x6;
	s11 =	smul.u32 $0x7D000, s8;
	[dreg:$0xc] =	wrdreg s26  }
0xe: {  	p0 =	sgt.u32 s8, $0x9;
	s2 =	smul.u32 $0xC0000, s1;
	[dreg:$0xd] =	wrdreg s10  }
0xf: {  	s6 =	smul.u32 $0x138800, s1;
	s1 =	ssub.s32 $0x2, s1;
	[dreg:$0xe] =	wrdreg s12  }
0x10: {  	s9 =	sor.u32 $0x1C05, s25;
	[dreg:$0xf] =	wrdreg s13;
	s16 =	simm.s32 $0x400  }
0x11: {  	s17 =	simm.s32 $0xF80;
	s19 =	simm.s32 $0x480;
	[dreg:$0x11] =	wrdreg s16  }
0x12: {  	s10 =	simm.s32 $0x5;
	s20 =	simm.s32 $0x1000;
	[dreg:$0x12] =	wrdreg s17  }
0x13: {  	s21 =	simm.s32 $0x500;
	s12 =	simm.s32 $0x80;
	[dreg:$0x13] =	wrdreg s19  }
0x14: {  	s13 =	simm.s32 $0x1800;
	s23 =	simm.s32 $0x580;
	[dreg:$0x14] =	wrdreg s20  }
0x15: {  	s24 =	simm.s32 $0x1100;
	s25 =	simm.s32 $0x600;
	[dreg:$0x15] =	wrdreg s21  }
0x16: {  	s26 =	simm.s32 $0x1180;
	s18 =	sshrl.u32 s1, $0x1;
	[dreg:$0x17] =	wrdreg s23  }
0x17: {  	s22 =	sshrl.u32 s7, $0x2;
	s14 =	sshrl.u32 s11, $0x2;
	[dreg:$0x18] =	wrdreg s24  }
0x18: {  	s11 =	simm.s32 $0xC00;
	s16 =	simm.s32 $0x3;
	[dreg:$0x19] =	wrdreg s25  }
0x19: {  	s17 =	simm.s32 $0x2;
	[dreg:$0x1a] =	wrdreg s26;
	s19 =	simm.s32 $0x680  }
0x1a: {  	s20 =	simm.s32 $0x1200;
	s21 =	simm.s32 $0x700;
	s23 =	simm.s32 $0x780  }
0x1b: {  	s24 =	simm.s32 $0x1300;
	s26 =	simm.s32 $0x800;
	s7 =	simm.s32 $0x1580  }
0x1c: {  	[dreg:$0x1b] =	wrdreg s9;
	s2 =	sadd.s32 s5, s2;
	s6 =	sadd.s32 s15, s6  }
0x1d: {  	s5 =	sadd.s32 $0x76400, s0;
	s1 =	ssub.s32 s1, s18;
	s15 =	simm.s32 $0xF00  }
0x1e: {  	s2 =	sshrl.u32 s2, $0x3;
	s6 =	sshrl.u32 s6, $0x3;
	[dreg:$0x10] =	wrdreg s15  }
0x1f: {  	s1 =	smax.u32 s1, $0x1;
	s2 =	sadd.s32 s2, s0;
	s0 =	sadd.s32 s6, s0  }
0x20: {  	s6 =	sadd.s32 s22, s3;
	[dreg:$0x1d] =	wrdreg s1;
	s22 =	simm.s32 $0x1080  }
0x21: {  	s25 =	simm.s32 $0x0;
	s2 =	sadd.s32 $0xC4600, s2;
	[dreg:$0x16] =	wrdreg s22  }
0x22: {  	s15 =	simm.s32 $0x1;
	s0 =	sadd.s32 $0xF4600, s0;
	[dreg:$0x4] =	wrdreg s2  }
0x23: {  	s1 =	simm.s32 $0x1480;
	s18 =	sshrl.u32 s6, $0x3;
	[dreg:$0x1c] =	wrdreg s0  }
0x24: {  	s22 =	simm.s32 $0x1280;
	s2 =	sadd.s32 s14, s3;
	[dreg:$0x1e] =	wrdreg s18  }
0x25: {  	s14 =	simm.s32 $0x5800;
	s18 =	simm.s32 $0x4;
	s0 =	sshrl.u32 @!p0 s2, $0x3  }
0x26: {  	s2 =	simm.s32 $0x1500;
	[dreg:$0x1f] =	wrdreg s0;
	s0 =	simm.s32 $0x980  }
.LBB2_1:
0x27: {  	[smem:$0x7FD] =	sst s25  }
0x28: {  	s6 =	rddreg [dreg:$0x1]  }
0x29: {  	s8 =	rddreg [dreg:$0x1e]  }
0x2a: {  	[spmem:s8], [sflag:s9] =	dma.local [hbm:s6], $0x2780  }
0x2b: {  	_ =	swait.ge [sflag:s10], $0x2780  }
0x2c: {  	[sflag:s10] =	ssyncset.done $0x0  }
0x2d: {  	[sflag:s10] =	ssyncadd.s32 $0xFFFFD880  }
0x2e: {  	[bflag:$0x0] =	sbarrier.arrive $0xFFFF  }
0x2f: {  	s9 =	rddreg [dreg:$0x4]  }
0x30: {  	s6 =	sadd.s32 $0x0, s9  }
0x31: {  	[tilespmem:s4], [sflag:$0x5] =	stream.linear.gather [hbm4b:s6+s4], $0xA00, $0x38;
	[tilespmem:$0x1D400] =	vst v63  }
0x32: {  	s6 =	sadd.s32 $0x180, s6  }
0x33: {  	[tilespmem:s11], [sflag:$0x5] =	stream.linear.gather [hbm4b:s6+s4], $0xA00, $0x38;
	[tilespmem:$0x1D400] =	vst v63  }
0x34: {  	_ =	swait.ge [sflag:s10], $0x1400  }
0x35: {  	[sflag:s10] =	ssyncset.done $0x0  }
0x36: {  	[sflag:s10] =	ssyncadd.s32 $0xFFFFEC00  }
0x37: {  	[tilespmem:s13], [sflag:$0x1] =	stream.indirect.gather [hbm4b:s5+s12], $0x80, s4, s12, $0xb8;
	[tilespmem:$0x1D400] =	vst v63  }
0x38: {  	_ = 	snop  }
0x39: {  	[tilespmem:s14], [sflag:$0x2] =	stream.indirect.gather [hbm4b:s5+s12], $0x80, s12, s12, $0xb8;
	[tilespmem:$0x1D400] =	vst v63  }
0x3a: {  	_ =	swait.ge [sflag:s15], $0x4000  }
0x3b: {  	[sflag:s15] =	ssyncset.done $0x0  }
0x3c: {  	[sflag:s15] =	ssyncadd.s32 $0xFFFFC000  }
0x3d: {  	[spmem:s3] =	stream.indirect.scatter.add.f32 [tilespmem:s13], [sflag:$0x3], $0x80, s11, s12, $0xb8;
	[tilespmem:$0x1D400] =	vst v63  }
0x3e: {  	_ =	swait.ge [sflag:s16], $0x4000  }
0x3f: {  	[sflag:s16] =	ssyncset.done $0x0  }
0x40: {  	s25 =	rddreg [dreg:$0x5];
	[sflag:s16] =	ssyncadd.s32 $0xFFFFC000  }
0x41: {  	[tilespmem:s13], [sflag:$0x1] =	stream.indirect.gather [hbm4b:s5+s12], $0x80, s25, s12, $0xb8;
	[tilespmem:$0x1D400] =	vst v63  }
0x42: {  	_ =	swait.ge [sflag:s17], $0x4000  }
0x43: {  	[sflag:s17] =	ssyncset.done $0x0  }
0x44: {  	s8 =	rddreg [dreg:$0x6];
	[sflag:s17] =	ssyncadd.s32 $0xFFFFC000  }
0x45: {  	[spmem:s3] =	stream.indirect.scatter.add.f32 [tilespmem:s14], [sflag:$0x4], $0x80, s8, s12, $0xb8;
	[tilespmem:$0x1D400] =	vst v63  }
0x46: {  	_ =	swait.ge [sflag:s18], $0x4000  }
0x47: {  	[sflag:s18] =	ssyncset.done $0x0  }
0x48: {  	s9 =	rddreg [dreg:$0x7];
	[sflag:s18] =	ssyncadd.s32 $0xFFFFC000  }
0x49: {  	[tilespmem:s14], [sflag:$0x2] =	stream.indirect.gather [hbm4b:s5+s12], $0x80, s9, s12, $0xb8;
	[tilespmem:$0x1D400] =	vst v63  }
0x4a: {  	_ =	swait.ge [sflag:s15], $0x4000  }
0x4b: {  	[sflag:s15] =	ssyncset.done $0x0  }
0x4c: {  	s25 =	rddreg [dreg:$0x8];
	[sflag:s15] =	ssyncadd.s32 $0xFFFFC000  }
0x4d: {  	[spmem:s3] =	stream.indirect.scatter.add.f32 [tilespmem:s13], [sflag:$0x3], $0x80, s25, s12, $0xb8;
	[tilespmem:$0x1D400] =	vst v63  }
0x4e: {  	_ =	swait.ge [sflag:s16], $0x4000  }
0x4f: {  	[sflag:s16] =	ssyncset.done $0x0  }
0x50: {  	s8 =	rddreg [dreg:$0x9];
	[sflag:s16] =	ssyncadd.s32 $0xFFFFC000  }
0x51: {  	[tilespmem:s13], [sflag:$0x1] =	stream.indirect.gather [hbm4b:s5+s12], $0x80, s8, s12, $0xb8;
	[tilespmem:$0x1D400] =	vst v63  }
0x52: {  	_ =	swait.ge [sflag:s17], $0x4000  }
0x53: {  	[sflag:s17] =	ssyncset.done $0x0  }
0x54: {  	s9 =	rddreg [dreg:$0xa];
	[sflag:s17] =	ssyncadd.s32 $0xFFFFC000  }
0x55: {  	[spmem:s3] =	stream.indirect.scatter.add.f32 [tilespmem:s14], [sflag:$0x4], $0x80, s9, s12, $0xb8;
	[tilespmem:$0x1D400] =	vst v63  }
0x56: {  	_ =	swait.ge [sflag:s18], $0x4000  }
0x57: {  	[sflag:s18] =	ssyncset.done $0x0  }
0x58: {  	s25 =	rddreg [dreg:$0xb];
	[sflag:s18] =	ssyncadd.s32 $0xFFFFC000  }
0x59: {  	[tilespmem:s14], [sflag:$0x2] =	stream.indirect.gather [hbm4b:s5+s12], $0x80, s25, s12, $0xb8;
	[tilespmem:$0x1D400] =	vst v63  }
0x5a: {  	_ =	swait.ge [sflag:s15], $0x4000  }
0x5b: {  	[sflag:s15] =	ssyncset.done $0x0  }
0x5c: {  	s8 =	rddreg [dreg:$0xc];
	[sflag:s15] =	ssyncadd.s32 $0xFFFFC000  }
0x5d: {  	[spmem:s3] =	stream.indirect.scatter.add.f32 [tilespmem:s13], [sflag:$0x3], $0x80, s8, s12, $0xb8;
	[tilespmem:$0x1D400] =	vst v63  }
0x5e: {  	_ =	swait.ge [sflag:s16], $0x4000  }
0x5f: {  	[sflag:s16] =	ssyncset.done $0x0  }
0x60: {  	s9 =	rddreg [dreg:$0xd];
	[sflag:s16] =	ssyncadd.s32 $0xFFFFC000  }
0x61: {  	[tilespmem:s13], [sflag:$0x1] =	stream.indirect.gather [hbm4b:s5+s12], $0x80, s9, s12, $0xb8;
	[tilespmem:$0x1D400] =	vst v63  }
0x62: {  	_ =	swait.ge [sflag:s17], $0x4000  }
0x63: {  	[sflag:s17] =	ssyncset.done $0x0  }
0x64: {  	s25 =	rddreg [dreg:$0xe];
	[sflag:s17] =	ssyncadd.s32 $0xFFFFC000  }
0x65: {  	[spmem:s3] =	stream.indirect.scatter.add.f32 [tilespmem:s14], [sflag:$0x4], $0x80, s25, s12, $0xb8;
	[tilespmem:$0x1D400] =	vst v63  }
0x66: {  	_ =	swait.ge [sflag:s18], $0x4000  }
0x67: {  	[sflag:s18] =	ssyncset.done $0x0  }
0x68: {  	s8 =	rddreg [dreg:$0xf];
	[sflag:s18] =	ssyncadd.s32 $0xFFFFC000  }
0x69: {  	[tilespmem:s14], [sflag:$0x2] =	stream.indirect.gather [hbm4b:s5+s12], $0x80, s8, s12, $0xb8;
	[tilespmem:$0x1D400] =	vst v63  }
0x6a: {  	_ =	swait.ge [sflag:s15], $0x4000  }
0x6b: {  	[sflag:s15] =	ssyncset.done $0x0  }
0x6c: {  	s9 =	rddreg [dreg:$0x10];
	[sflag:s15] =	ssyncadd.s32 $0xFFFFC000  }
0x6d: {  	[spmem:s3] =	stream.indirect.scatter.add.f32 [tilespmem:s13], [sflag:$0x3], $0x80, s9, s12, $0xb8;
	[tilespmem:$0x1D400] =	vst v63  }
0x6e: {  	_ =	swait.ge [sflag:s16], $0x4000  }
0x6f: {  	[sflag:s16] =	ssyncset.done $0x0  }
0x70: {  	s25 =	rddreg [dreg:$0x11];
	[sflag:s16] =	ssyncadd.s32 $0xFFFFC000  }
0x71: {  	[tilespmem:s13], [sflag:$0x1] =	stream.indirect.gather [hbm4b:s5+s12], $0x80, s25, s12, $0xb8;
	[tilespmem:$0x1D400] =	vst v63  }
0x72: {  	_ =	swait.ge [sflag:s17], $0x4000  }
0x73: {  	[sflag:s17] =	ssyncset.done $0x0  }
0x74: {  	s8 =	rddreg [dreg:$0x12];
	[sflag:s17] =	ssyncadd.s32 $0xFFFFC000  }
0x75: {  	[spmem:s3] =	stream.indirect.scatter.add.f32 [tilespmem:s14], [sflag:$0x4], $0x80, s8, s12, $0xb8;
	[tilespmem:$0x1D400] =	vst v63  }
0x76: {  	_ =	swait.ge [sflag:s18], $0x4000  }
0x77: {  	[sflag:s18] =	ssyncset.done $0x0  }
0x78: {  	s9 =	rddreg [dreg:$0x13];
	[sflag:s18] =	ssyncadd.s32 $0xFFFFC000  }
0x79: {  	[tilespmem:s14], [sflag:$0x2] =	stream.indirect.gather [hbm4b:s5+s12], $0x80, s9, s12, $0xb8;
	[tilespmem:$0x1D400] =	vst v63  }
0x7a: {  	_ =	swait.ge [sflag:s15], $0x4000  }
0x7b: {  	[sflag:s15] =	ssyncset.done $0x0  }
0x7c: {  	s25 =	rddreg [dreg:$0x14];
	[sflag:s15] =	ssyncadd.s32 $0xFFFFC000  }
0x7d: {  	[spmem:s3] =	stream.indirect.scatter.add.f32 [tilespmem:s13], [sflag:$0x3], $0x80, s25, s12, $0xb8;
	[tilespmem:$0x1D400] =	vst v63  }
0x7e: {  	_ =	swait.ge [sflag:s16], $0x4000  }
0x7f: {  	[sflag:s16] =	ssyncset.done $0x0  }
0x80: {  	s8 =	rddreg [dreg:$0x15];
	[sflag:s16] =	ssyncadd.s32 $0xFFFFC000  }
0x81: {  	[tilespmem:s13], [sflag:$0x1] =	stream.indirect.gather [hbm4b:s5+s12], $0x80, s8, s12, $0xb8;
	[tilespmem:$0x1D400] =	vst v63  }
0x82: {  	_ =	swait.ge [sflag:s17], $0x4000  }
0x83: {  	[sflag:s17] =	ssyncset.done $0x0  }
0x84: {  	s9 =	rddreg [dreg:$0x16];
	[sflag:s17] =	ssyncadd.s32 $0xFFFFC000  }
0x85: {  	[spmem:s3] =	stream.indirect.scatter.add.f32 [tilespmem:s14], [sflag:$0x4], $0x80, s9, s12, $0xb8;
	[tilespmem:$0x1D400] =	vst v63  }
0x86: {  	_ =	swait.ge [sflag:s18], $0x4000  }
0x87: {  	[sflag:s18] =	ssyncset.done $0x0  }
0x88: {  	s25 =	rddreg [dreg:$0x17];
	[sflag:s18] =	ssyncadd.s32 $0xFFFFC000  }
0x89: {  	[tilespmem:s14], [sflag:$0x2] =	stream.indirect.gather [hbm4b:s5+s12], $0x80, s25, s12, $0xb8;
	[tilespmem:$0x1D400] =	vst v63  }
0x8a: {  	_ =	swait.ge [sflag:s15], $0x4000  }
0x8b: {  	[sflag:s15] =	ssyncset.done $0x0  }
0x8c: {  	s8 =	rddreg [dreg:$0x18];
	[sflag:s15] =	ssyncadd.s32 $0xFFFFC000  }
0x8d: {  	[spmem:s3] =	stream.indirect.scatter.add.f32 [tilespmem:s13], [sflag:$0x3], $0x80, s8, s12, $0xb8;
	[tilespmem:$0x1D400] =	vst v63  }
0x8e: {  	_ =	swait.ge [sflag:s16], $0x4000  }
0x8f: {  	[sflag:s16] =	ssyncset.done $0x0  }
0x90: {  	s9 =	rddreg [dreg:$0x19];
	[sflag:s16] =	ssyncadd.s32 $0xFFFFC000  }
0x91: {  	[tilespmem:s13], [sflag:$0x1] =	stream.indirect.gather [hbm4b:s5+s12], $0x80, s9, s12, $0xb8;
	[tilespmem:$0x1D400] =	vst v63  }
0x92: {  	_ =	swait.ge [sflag:s17], $0x4000  }
0x93: {  	[sflag:s17] =	ssyncset.done $0x0  }
0x94: {  	s25 =	rddreg [dreg:$0x1a];
	[sflag:s17] =	ssyncadd.s32 $0xFFFFC000  }
0x95: {  	[spmem:s3] =	stream.indirect.scatter.add.f32 [tilespmem:s14], [sflag:$0x4], $0x80, s25, s12, $0xb8;
	[tilespmem:$0x1D400] =	vst v63  }
0x96: {  	_ =	swait.ge [sflag:s18], $0x4000  }
0x97: {  	[sflag:s18] =	ssyncset.done $0x0  }
0x98: {  	[sflag:s18] =	ssyncadd.s32 $0xFFFFC000  }
0x99: {  	[tilespmem:s14], [sflag:$0x2] =	stream.indirect.gather [hbm4b:s5+s12], $0x80, s19, s12, $0xb8;
	[tilespmem:$0x1D400] =	vst v63  }
0x9a: {  	_ =	swait.ge [sflag:s15], $0x4000  }
0x9b: {  	[sflag:s15] =	ssyncset.done $0x0  }
0x9c: {  	[sflag:s15] =	ssyncadd.s32 $0xFFFFC000  }
0x9d: {  	[spmem:s3] =	stream.indirect.scatter.add.f32 [tilespmem:s13], [sflag:$0x3], $0x80, s20, s12, $0xb8;
	[tilespmem:$0x1D400] =	vst v63  }
0x9e: {  	_ =	swait.ge [sflag:s16], $0x4000  }
0x9f: {  	[sflag:s16] =	ssyncset.done $0x0  }
0xa0: {  	[sflag:s16] =	ssyncadd.s32 $0xFFFFC000  }
0xa1: {  	[tilespmem:s13], [sflag:$0x1] =	stream.indirect.gather [hbm4b:s5+s12], $0x80, s21, s12, $0xb8;
	[tilespmem:$0x1D400] =	vst v63  }
0xa2: {  	_ =	swait.ge [sflag:s17], $0x4000  }
0xa3: {  	[sflag:s17] =	ssyncset.done $0x0  }
0xa4: {  	[sflag:s17] =	ssyncadd.s32 $0xFFFFC000  }
0xa5: {  	[spmem:s3] =	stream.indirect.scatter.add.f32 [tilespmem:s14], [sflag:$0x4], $0x80, s22, s12, $0xb8;
	[tilespmem:$0x1D400] =	vst v63  }
0xa6: {  	_ =	swait.ge [sflag:s18], $0x4000  }
0xa7: {  	[sflag:s18] =	ssyncset.done $0x0  }
0xa8: {  	[sflag:s18] =	ssyncadd.s32 $0xFFFFC000  }
0xa9: {  	[tilespmem:s14], [sflag:$0x2] =	stream.indirect.gather [hbm4b:s5+s12], $0x80, s23, s12, $0xb8;
	[tilespmem:$0x1D400] =	vst v63  }
0xaa: {  	_ =	swait.ge [sflag:s15], $0x4000  }
0xab: {  	[sflag:s15] =	ssyncset.done $0x0  }
0xac: {  	[sflag:s15] =	ssyncadd.s32 $0xFFFFC000  }
0xad: {  	[spmem:s3] =	stream.indirect.scatter.add.f32 [tilespmem:s13], [sflag:$0x3], $0x80, s24, s12, $0xb8;
	[tilespmem:$0x1D400] =	vst v63  }
0xae: {  	_ =	swait.ge [sflag:s16], $0x4000  }
0xaf: {  	[sflag:s16] =	ssyncset.done $0x0  }
0xb0: {  	[sflag:s16] =	ssyncadd.s32 $0xFFFFC000  }
0xb1: {  	[tilespmem:s13], [sflag:$0x1] =	stream.indirect.gather [hbm4b:s5+s12], $0x80, s26, s12, $0xb8;
	[tilespmem:$0x1D400] =	vst v63  }
0xb2: {  	_ =	swait.ge [sflag:s17], $0x4000  }
0xb3: {  	[sflag:s17] =	ssyncset.done $0x0  }
0xb4: {  	[sflag:s17] =	ssyncadd.s32 $0xFFFFC000  }
0xb5: {  	[spmem:s3] =	stream.indirect.scatter.add.f32 [tilespmem:s14], [sflag:$0x4], $0x80, s28, s12, $0xb8;
	[tilespmem:$0x1D400] =	vst v63  }
0xb6: {  	_ =	swait.ge [sflag:s18], $0x4000  }
0xb7: {  	[sflag:s18] =	ssyncset.done $0x0  }
0xb8: {  	[sflag:s18] =	ssyncadd.s32 $0xFFFFC000  }
0xb9: {  	[tilespmem:s14], [sflag:$0x2] =	stream.indirect.gather [hbm4b:s5+s12], $0x80, s29, s12, $0xb8;
	[tilespmem:$0x1D400] =	vst v63  }
0xba: {  	_ =	swait.ge [sflag:s15], $0x4000  }
0xbb: {  	[sflag:s15] =	ssyncset.done $0x0  }
0xbc: {  	[sflag:s15] =	ssyncadd.s32 $0xFFFFC000  }
0xbd: {  	[spmem:s3] =	stream.indirect.scatter.add.f32 [tilespmem:s13], [sflag:$0x3], $0x80, s30, s12, $0xb8;
	[tilespmem:$0x1D400] =	vst v63  }
0xbe: {  	_ =	swait.ge [sflag:s16], $0x4000  }
0xbf: {  	[sflag:s16] =	ssyncset.done $0x0  }
0xc0: {  	[sflag:s16] =	ssyncadd.s32 $0xFFFFC000  }
0xc1: {  	[tilespmem:s13], [sflag:$0x1] =	stream.indirect.gather [hbm4b:s5+s12], $0x80, s31, s12, $0xb8;
	[tilespmem:$0x1D400] =	vst v63  }
0xc2: {  	_ =	swait.ge [sflag:s17], $0x4000  }
0xc3: {  	[sflag:s17] =	ssyncset.done $0x0  }
0xc4: {  	[sflag:s17] =	ssyncadd.s32 $0xFFFFC000  }
0xc5: {  	[spmem:s3] =	stream.indirect.scatter.add.f32 [tilespmem:s14], [sflag:$0x4], $0x80, s1, s12, $0xb8;
	[tilespmem:$0x1D400] =	vst v63  }
0xc6: {  	_ =	swait.ge [sflag:s18], $0x4000  }
0xc7: {  	[sflag:s18] =	ssyncset.done $0x0  }
0xc8: {  	[sflag:s18] =	ssyncadd.s32 $0xFFFFC000  }
0xc9: {  	[tilespmem:s14], [sflag:$0x2] =	stream.indirect.gather [hbm4b:s5+s12], $0x80, s0, s12, $0xb8;
	[tilespmem:$0x1D400] =	vst v63  }
0xca: {  	_ =	swait.ge [sflag:s15], $0x4000  }
0xcb: {  	[sflag:s15] =	ssyncset.done $0x0  }
0xcc: {  	[sflag:s15] =	ssyncadd.s32 $0xFFFFC000  }
0xcd: {  	[spmem:s3] =	stream.indirect.scatter.add.f32 [tilespmem:s13], [sflag:$0x3], $0x80, s2, s12, $0xb8;
	[tilespmem:$0x1D400] =	vst v63  }
0xce: {  	_ =	swait.ge [sflag:s17], $0x4000  }
0xcf: {  	[sflag:s17] =	ssyncset.done $0x0  }
0xd0: {  	[sflag:s17] =	ssyncadd.s32 $0xFFFFC000  }
0xd1: {  	[spmem:s3] =	stream.indirect.scatter.add.f32 [tilespmem:s14], [sflag:$0x4], $0x80, s7, s12, $0xb8;
	[tilespmem:$0x1D400] =	vst v63  }
0xd2: {  	_ =	swait.ge [sflag:s16], $0x4000  }
0xd3: {  	[sflag:s16] =	ssyncset.done $0x0  }
0xd4: {  	[sflag:s16] =	ssyncadd.s32 $0xFFFFC000  }
0xd5: {  	s9 =	simm.s32 $0x300;
	_ =	swait.ge [sflag:s18], $0x4000  }
0xd6: {  	s25 =	simm.s32 $0x600;
	s6 =	rddreg [dreg:$0x4];
	[sflag:s18] =	ssyncset.done $0x0  }
.LBB2_2:
0xd7: {  	[sflag:s18] =	ssyncadd.s32 $0xFFFFC000;
	s6 =	sadd.s32 s9, s6  }
0xd8: {  	[tilespmem:s4], [sflag:$0x5] =	stream.linear.gather [hbm4b:s6+s4], $0xA00, $0x38;
	[tilespmem:$0x1D400] =	vst v63  }
0xd9: {  	s6 =	sadd.s32 $0x180, s6  }
0xda: {  	[tilespmem:s11], [sflag:$0x5] =	stream.linear.gather [hbm4b:s6+s4], $0xA00, $0x38;
	[tilespmem:$0x1D400] =	vst v63  }
0xdb: {  	_ =	swait.ge [sflag:s10], $0x1400  }
0xdc: {  	[sflag:s10] =	ssyncset.done $0x0  }
0xdd: {  	[sflag:s10] =	ssyncadd.s32 $0xFFFFEC00  }
0xde: {  	[tilespmem:s13], [sflag:$0x1] =	stream.indirect.gather [hbm4b:s5+s12], $0x80, s4, s12, $0xb8;
	[tilespmem:$0x1D400] =	vst v63  }
0xdf: {  	_ = 	snop  }
0xe0: {  	[tilespmem:s14], [sflag:$0x2] =	stream.indirect.gather [hbm4b:s5+s12], $0x80, s12, s12, $0xb8;
	[tilespmem:$0x1D400] =	vst v63  }
0xe1: {  	_ =	swait.ge [sflag:s15], $0x4000  }
0xe2: {  	[sflag:s15] =	ssyncset.done $0x0  }
0xe3: {  	[sflag:s15] =	ssyncadd.s32 $0xFFFFC000  }
0xe4: {  	[spmem:s3] =	stream.indirect.scatter.add.f32 [tilespmem:s13], [sflag:$0x3], $0x80, s11, s12, $0xb8;
	[tilespmem:$0x1D400] =	vst v63  }
0xe5: {  	_ =	swait.ge [sflag:s16], $0x4000  }
0xe6: {  	s8 =	smov.u32 s25;
	[sflag:s16] =	ssyncset.done $0x0  }
0xe7: {  	s9 =	smov.u32 s8;
	s8 =	rddreg [dreg:$0x5];
	[sflag:s16] =	ssyncadd.s32 $0xFFFFC000  }
0xe8: {  	[tilespmem:s13], [sflag:$0x1] =	stream.indirect.gather [hbm4b:s5+s12], $0x80, s8, s12, $0xb8;
	[tilespmem:$0x1D400] =	vst v63  }
0xe9: {  	_ =	swait.ge [sflag:s17], $0x4000  }
0xea: {  	[sflag:s17] =	ssyncset.done $0x0  }
0xeb: {  	s8 =	rddreg [dreg:$0x6];
	[sflag:s17] =	ssyncadd.s32 $0xFFFFC000  }
0xec: {  	[spmem:s3] =	stream.indirect.scatter.add.f32 [tilespmem:s14], [sflag:$0x4], $0x80, s8, s12, $0xb8;
	[tilespmem:$0x1D400] =	vst v63  }
0xed: {  	_ =	swait.ge [sflag:s18], $0x4000  }
0xee: {  	[sflag:s18] =	ssyncset.done $0x0  }
0xef: {  	s8 =	rddreg [dreg:$0x7];
	[sflag:s18] =	ssyncadd.s32 $0xFFFFC000  }
0xf0: {  	[tilespmem:s14], [sflag:$0x2] =	stream.indirect.gather [hbm4b:s5+s12], $0x80, s8, s12, $0xb8;
	[tilespmem:$0x1D400] =	vst v63  }
0xf1: {  	_ =	swait.ge [sflag:s15], $0x4000  }
0xf2: {  	[sflag:s15] =	ssyncset.done $0x0  }
0xf3: {  	s8 =	rddreg [dreg:$0x8];
	[sflag:s15] =	ssyncadd.s32 $0xFFFFC000  }
0xf4: {  	[spmem:s3] =	stream.indirect.scatter.add.f32 [tilespmem:s13], [sflag:$0x3], $0x80, s8, s12, $0xb8;
	[tilespmem:$0x1D400] =	vst v63  }
0xf5: {  	_ =	swait.ge [sflag:s16], $0x4000  }
0xf6: {  	[sflag:s16] =	ssyncset.done $0x0  }
0xf7: {  	s8 =	rddreg [dreg:$0x9];
	[sflag:s16] =	ssyncadd.s32 $0xFFFFC000  }
0xf8: {  	[tilespmem:s13], [sflag:$0x1] =	stream.indirect.gather [hbm4b:s5+s12], $0x80, s8, s12, $0xb8;
	[tilespmem:$0x1D400] =	vst v63  }
0xf9: {  	_ =	swait.ge [sflag:s17], $0x4000  }
0xfa: {  	[sflag:s17] =	ssyncset.done $0x0  }
0xfb: {  	s8 =	rddreg [dreg:$0xa];
	[sflag:s17] =	ssyncadd.s32 $0xFFFFC000  }
0xfc: {  	[spmem:s3] =	stream.indirect.scatter.add.f32 [tilespmem:s14], [sflag:$0x4], $0x80, s8, s12, $0xb8;
	[tilespmem:$0x1D400] =	vst v63  }
0xfd: {  	_ =	swait.ge [sflag:s18], $0x4000  }
0xfe: {  	[sflag:s18] =	ssyncset.done $0x0  }
0xff: {  	s8 =	rddreg [dreg:$0xb];
	[sflag:s18] =	ssyncadd.s32 $0xFFFFC000  }
0x100: {  	[tilespmem:s14], [sflag:$0x2] =	stream.indirect.gather [hbm4b:s5+s12], $0x80, s8, s12, $0xb8;
	[tilespmem:$0x1D400] =	vst v63  }
0x101: {  	_ =	swait.ge [sflag:s15], $0x4000  }
0x102: {  	[sflag:s15] =	ssyncset.done $0x0  }
0x103: {  	s8 =	rddreg [dreg:$0xc];
	[sflag:s15] =	ssyncadd.s32 $0xFFFFC000  }
0x104: {  	[spmem:s3] =	stream.indirect.scatter.add.f32 [tilespmem:s13], [sflag:$0x3], $0x80, s8, s12, $0xb8;
	[tilespmem:$0x1D400] =	vst v63  }
0x105: {  	_ =	swait.ge [sflag:s16], $0x4000  }
0x106: {  	[sflag:s16] =	ssyncset.done $0x0  }
0x107: {  	s8 =	rddreg [dreg:$0xd];
	[sflag:s16] =	ssyncadd.s32 $0xFFFFC000  }
0x108: {  	[tilespmem:s13], [sflag:$0x1] =	stream.indirect.gather [hbm4b:s5+s12], $0x80, s8, s12, $0xb8;
	[tilespmem:$0x1D400] =	vst v63  }
0x109: {  	_ =	swait.ge [sflag:s17], $0x4000  }
0x10a: {  	[sflag:s17] =	ssyncset.done $0x0  }
0x10b: {  	s8 =	rddreg [dreg:$0xe];
	[sflag:s17] =	ssyncadd.s32 $0xFFFFC000  }
0x10c: {  	[spmem:s3] =	stream.indirect.scatter.add.f32 [tilespmem:s14], [sflag:$0x4], $0x80, s8, s12, $0xb8;
	[tilespmem:$0x1D400] =	vst v63  }
0x10d: {  	_ =	swait.ge [sflag:s18], $0x4000  }
0x10e: {  	[sflag:s18] =	ssyncset.done $0x0  }
0x10f: {  	s8 =	rddreg [dreg:$0xf];
	[sflag:s18] =	ssyncadd.s32 $0xFFFFC000  }
0x110: {  	[tilespmem:s14], [sflag:$0x2] =	stream.indirect.gather [hbm4b:s5+s12], $0x80, s8, s12, $0xb8;
	[tilespmem:$0x1D400] =	vst v63  }
0x111: {  	_ =	swait.ge [sflag:s15], $0x4000  }
0x112: {  	[sflag:s15] =	ssyncset.done $0x0  }
0x113: {  	s8 =	rddreg [dreg:$0x10];
	[sflag:s15] =	ssyncadd.s32 $0xFFFFC000  }
0x114: {  	[spmem:s3] =	stream.indirect.scatter.add.f32 [tilespmem:s13], [sflag:$0x3], $0x80, s8, s12, $0xb8;
	[tilespmem:$0x1D400] =	vst v63  }
0x115: {  	_ =	swait.ge [sflag:s16], $0x4000  }
0x116: {  	[sflag:s16] =	ssyncset.done $0x0  }
0x117: {  	s8 =	rddreg [dreg:$0x11];
	[sflag:s16] =	ssyncadd.s32 $0xFFFFC000  }
0x118: {  	[tilespmem:s13], [sflag:$0x1] =	stream.indirect.gather [hbm4b:s5+s12], $0x80, s8, s12, $0xb8;
	[tilespmem:$0x1D400] =	vst v63  }
0x119: {  	_ =	swait.ge [sflag:s17], $0x4000  }
0x11a: {  	[sflag:s17] =	ssyncset.done $0x0  }
0x11b: {  	s8 =	rddreg [dreg:$0x12];
	[sflag:s17] =	ssyncadd.s32 $0xFFFFC000  }
0x11c: {  	[spmem:s3] =	stream.indirect.scatter.add.f32 [tilespmem:s14], [sflag:$0x4], $0x80, s8, s12, $0xb8;
	[tilespmem:$0x1D400] =	vst v63  }
0x11d: {  	_ =	swait.ge [sflag:s18], $0x4000  }
0x11e: {  	[sflag:s18] =	ssyncset.done $0x0  }
0x11f: {  	s8 =	rddreg [dreg:$0x13];
	[sflag:s18] =	ssyncadd.s32 $0xFFFFC000  }
0x120: {  	[tilespmem:s14], [sflag:$0x2] =	stream.indirect.gather [hbm4b:s5+s12], $0x80, s8, s12, $0xb8;
	[tilespmem:$0x1D400] =	vst v63  }
0x121: {  	_ =	swait.ge [sflag:s15], $0x4000  }
0x122: {  	[sflag:s15] =	ssyncset.done $0x0  }
0x123: {  	s8 =	rddreg [dreg:$0x14];
	[sflag:s15] =	ssyncadd.s32 $0xFFFFC000  }
0x124: {  	[spmem:s3] =	stream.indirect.scatter.add.f32 [tilespmem:s13], [sflag:$0x3], $0x80, s8, s12, $0xb8;
	[tilespmem:$0x1D400] =	vst v63  }
0x125: {  	_ =	swait.ge [sflag:s16], $0x4000  }
0x126: {  	[sflag:s16] =	ssyncset.done $0x0  }
0x127: {  	s8 =	rddreg [dreg:$0x15];
	[sflag:s16] =	ssyncadd.s32 $0xFFFFC000  }
0x128: {  	[tilespmem:s13], [sflag:$0x1] =	stream.indirect.gather [hbm4b:s5+s12], $0x80, s8, s12, $0xb8;
	[tilespmem:$0x1D400] =	vst v63  }
0x129: {  	_ =	swait.ge [sflag:s17], $0x4000  }
0x12a: {  	[sflag:s17] =	ssyncset.done $0x0  }
0x12b: {  	s8 =	rddreg [dreg:$0x16];
	[sflag:s17] =	ssyncadd.s32 $0xFFFFC000  }
0x12c: {  	[spmem:s3] =	stream.indirect.scatter.add.f32 [tilespmem:s14], [sflag:$0x4], $0x80, s8, s12, $0xb8;
	[tilespmem:$0x1D400] =	vst v63  }
0x12d: {  	_ =	swait.ge [sflag:s18], $0x4000  }
0x12e: {  	[sflag:s18] =	ssyncset.done $0x0  }
0x12f: {  	s8 =	rddreg [dreg:$0x17];
	[sflag:s18] =	ssyncadd.s32 $0xFFFFC000  }
0x130: {  	[tilespmem:s14], [sflag:$0x2] =	stream.indirect.gather [hbm4b:s5+s12], $0x80, s8, s12, $0xb8;
	[tilespmem:$0x1D400] =	vst v63  }
0x131: {  	_ =	swait.ge [sflag:s15], $0x4000  }
0x132: {  	[sflag:s15] =	ssyncset.done $0x0  }
0x133: {  	s8 =	rddreg [dreg:$0x18];
	[sflag:s15] =	ssyncadd.s32 $0xFFFFC000  }
0x134: {  	[spmem:s3] =	stream.indirect.scatter.add.f32 [tilespmem:s13], [sflag:$0x3], $0x80, s8, s12, $0xb8;
	[tilespmem:$0x1D400] =	vst v63  }
0x135: {  	_ =	swait.ge [sflag:s16], $0x4000  }
0x136: {  	[sflag:s16] =	ssyncset.done $0x0  }
0x137: {  	s8 =	rddreg [dreg:$0x19];
	[sflag:s16] =	ssyncadd.s32 $0xFFFFC000  }
0x138: {  	[tilespmem:s13], [sflag:$0x1] =	stream.indirect.gather [hbm4b:s5+s12], $0x80, s8, s12, $0xb8;
	[tilespmem:$0x1D400] =	vst v63  }
0x139: {  	_ =	swait.ge [sflag:s17], $0x4000  }
0x13a: {  	[sflag:s17] =	ssyncset.done $0x0  }
0x13b: {  	s8 =	rddreg [dreg:$0x1a];
	[sflag:s17] =	ssyncadd.s32 $0xFFFFC000  }
0x13c: {  	[spmem:s3] =	stream.indirect.scatter.add.f32 [tilespmem:s14], [sflag:$0x4], $0x80, s8, s12, $0xb8;
	[tilespmem:$0x1D400] =	vst v63  }
0x13d: {  	_ =	swait.ge [sflag:s18], $0x4000  }
0x13e: {  	[sflag:s18] =	ssyncset.done $0x0  }
0x13f: {  	[sflag:s18] =	ssyncadd.s32 $0xFFFFC000  }
0x140: {  	[tilespmem:s14], [sflag:$0x2] =	stream.indirect.gather [hbm4b:s5+s12], $0x80, s19, s12, $0xb8;
	[tilespmem:$0x1D400] =	vst v63  }
0x141: {  	_ =	swait.ge [sflag:s15], $0x4000  }
0x142: {  	[sflag:s15] =	ssyncset.done $0x0  }
0x143: {  	[sflag:s15] =	ssyncadd.s32 $0xFFFFC000  }
0x144: {  	[spmem:s3] =	stream.indirect.scatter.add.f32 [tilespmem:s13], [sflag:$0x3], $0x80, s20, s12, $0xb8;
	[tilespmem:$0x1D400] =	vst v63  }
0x145: {  	_ =	swait.ge [sflag:s16], $0x4000  }
0x146: {  	[sflag:s16] =	ssyncset.done $0x0  }
0x147: {  	[sflag:s16] =	ssyncadd.s32 $0xFFFFC000  }
0x148: {  	[tilespmem:s13], [sflag:$0x1] =	stream.indirect.gather [hbm4b:s5+s12], $0x80, s21, s12, $0xb8;
	[tilespmem:$0x1D400] =	vst v63  }
0x149: {  	_ =	swait.ge [sflag:s17], $0x4000  }
0x14a: {  	[sflag:s17] =	ssyncset.done $0x0  }
0x14b: {  	[sflag:s17] =	ssyncadd.s32 $0xFFFFC000  }
0x14c: {  	[spmem:s3] =	stream.indirect.scatter.add.f32 [tilespmem:s14], [sflag:$0x4], $0x80, s22, s12, $0xb8;
	[tilespmem:$0x1D400] =	vst v63  }
0x14d: {  	_ =	swait.ge [sflag:s18], $0x4000  }
0x14e: {  	[sflag:s18] =	ssyncset.done $0x0  }
0x14f: {  	[sflag:s18] =	ssyncadd.s32 $0xFFFFC000  }
0x150: {  	[tilespmem:s14], [sflag:$0x2] =	stream.indirect.gather [hbm4b:s5+s12], $0x80, s23, s12, $0xb8;
	[tilespmem:$0x1D400] =	vst v63  }
0x151: {  	_ =	swait.ge [sflag:s15], $0x4000  }
0x152: {  	[sflag:s15] =	ssyncset.done $0x0  }
0x153: {  	[sflag:s15] =	ssyncadd.s32 $0xFFFFC000  }
0x154: {  	[spmem:s3] =	stream.indirect.scatter.add.f32 [tilespmem:s13], [sflag:$0x3], $0x80, s24, s12, $0xb8;
	[tilespmem:$0x1D400] =	vst v63  }
0x155: {  	_ =	swait.ge [sflag:s16], $0x4000  }
0x156: {  	[sflag:s16] =	ssyncset.done $0x0  }
0x157: {  	[sflag:s16] =	ssyncadd.s32 $0xFFFFC000  }
0x158: {  	[tilespmem:s13], [sflag:$0x1] =	stream.indirect.gather [hbm4b:s5+s12], $0x80, s26, s12, $0xb8;
	[tilespmem:$0x1D400] =	vst v63  }
0x159: {  	_ =	swait.ge [sflag:s17], $0x4000  }
0x15a: {  	[sflag:s17] =	ssyncset.done $0x0  }
0x15b: {  	[sflag:s17] =	ssyncadd.s32 $0xFFFFC000  }
0x15c: {  	[spmem:s3] =	stream.indirect.scatter.add.f32 [tilespmem:s14], [sflag:$0x4], $0x80, s28, s12, $0xb8;
	[tilespmem:$0x1D400] =	vst v63  }
0x15d: {  	_ =	swait.ge [sflag:s18], $0x4000  }
0x15e: {  	[sflag:s18] =	ssyncset.done $0x0  }
0x15f: {  	[sflag:s18] =	ssyncadd.s32 $0xFFFFC000  }
0x160: {  	[tilespmem:s14], [sflag:$0x2] =	stream.indirect.gather [hbm4b:s5+s12], $0x80, s29, s12, $0xb8;
	[tilespmem:$0x1D400] =	vst v63  }
0x161: {  	_ =	swait.ge [sflag:s15], $0x4000  }
0x162: {  	[sflag:s15] =	ssyncset.done $0x0  }
0x163: {  	[sflag:s15] =	ssyncadd.s32 $0xFFFFC000  }
0x164: {  	[spmem:s3] =	stream.indirect.scatter.add.f32 [tilespmem:s13], [sflag:$0x3], $0x80, s30, s12, $0xb8;
	[tilespmem:$0x1D400] =	vst v63  }
0x165: {  	_ =	swait.ge [sflag:s16], $0x4000  }
0x166: {  	[sflag:s16] =	ssyncset.done $0x0  }
0x167: {  	[sflag:s16] =	ssyncadd.s32 $0xFFFFC000  }
0x168: {  	[tilespmem:s13], [sflag:$0x1] =	stream.indirect.gather [hbm4b:s5+s12], $0x80, s31, s12, $0xb8;
	[tilespmem:$0x1D400] =	vst v63  }
0x169: {  	_ =	swait.ge [sflag:s17], $0x4000  }
0x16a: {  	[sflag:s17] =	ssyncset.done $0x0  }
0x16b: {  	[sflag:s17] =	ssyncadd.s32 $0xFFFFC000  }
0x16c: {  	[spmem:s3] =	stream.indirect.scatter.add.f32 [tilespmem:s14], [sflag:$0x4], $0x80, s1, s12, $0xb8;
	[tilespmem:$0x1D400] =	vst v63  }
0x16d: {  	_ =	swait.ge [sflag:s18], $0x4000  }
0x16e: {  	[sflag:s18] =	ssyncset.done $0x0  }
0x16f: {  	[sflag:s18] =	ssyncadd.s32 $0xFFFFC000  }
0x170: {  	[tilespmem:s14], [sflag:$0x2] =	stream.indirect.gather [hbm4b:s5+s12], $0x80, s0, s12, $0xb8;
	[tilespmem:$0x1D400] =	vst v63  }
0x171: {  	_ =	swait.ge [sflag:s15], $0x4000  }
0x172: {  	[sflag:s15] =	ssyncset.done $0x0  }
0x173: {  	[sflag:s15] =	ssyncadd.s32 $0xFFFFC000  }
0x174: {  	[spmem:s3] =	stream.indirect.scatter.add.f32 [tilespmem:s13], [sflag:$0x3], $0x80, s2, s12, $0xb8;
	[tilespmem:$0x1D400] =	vst v63  }
0x175: {  	_ =	swait.ge [sflag:s17], $0x4000  }
0x176: {  	[sflag:s17] =	ssyncset.done $0x0  }
0x177: {  	p1 =	sne.s32 s25, $0x1500;
	[sflag:s17] =	ssyncadd.s32 $0xFFFFC000  }
0x178: {  	[spmem:s3] =	stream.indirect.scatter.add.f32 [tilespmem:s14], [sflag:$0x4], $0x80, s7, s12, $0xb8;
	[tilespmem:$0x1D400] =	vst v63  }
.Ltmp0:
0x179: {  	_ =	swait.ge [sflag:s16], $0x4000;
	(pc) =	sbr.rel @p1 .LBB2_2-.Ltmp0, $4  }
0x17a: {  	[sflag:s16] =	ssyncset.done $0x0  }
0x17b: {  	[sflag:s16] =	ssyncadd.s32 $0xFFFFC000  }
0x17c: {  	_ =	swait.ge [sflag:s18], $0x4000  }
0x17d: {  	s25 =	sadd.s32 $0x300, s25;
	s6 =	rddreg [dreg:$0x4];
	[sflag:s18] =	ssyncset.done $0x0  }
0x17e: {  	s6 =	sadd.s32 s9, s6;
	[sflag:s18] =	ssyncadd.s32 $0xFFFFC000  }
0x17f: {  	[tilespmem:s4], [sflag:$0x5] =	stream.linear.gather [hbm4b:s6+s4], $0xA00, $0x38;
	[tilespmem:$0x1D400] =	vst v63  }
0x180: {  	s6 =	sadd.s32 $0x180, s6  }
0x181: {  	[tilespmem:s11], [sflag:$0x5] =	stream.linear.gather [hbm4b:s6+s4], $0xA00, $0x38;
	[tilespmem:$0x1D400] =	vst v63  }
0x182: {  	_ =	swait.ge [sflag:s10], $0x1400  }
0x183: {  	[sflag:s10] =	ssyncset.done $0x0  }
0x184: {  	[sflag:s10] =	ssyncadd.s32 $0xFFFFEC00  }
0x185: {  	[tilespmem:s13], [sflag:$0x1] =	stream.indirect.gather [hbm4b:s5+s12], $0x80, s4, s12, $0xb8;
	[tilespmem:$0x1D400] =	vst v63  }
0x186: {  	_ = 	snop  }
0x187: {  	[tilespmem:s14], [sflag:$0x2] =	stream.indirect.gather [hbm4b:s5+s12], $0x80, s12, s12, $0xb8;
	[tilespmem:$0x1D400] =	vst v63  }
0x188: {  	_ =	swait.ge [sflag:s15], $0x4000  }
0x189: {  	[sflag:s15] =	ssyncset.done $0x0  }
0x18a: {  	[sflag:s15] =	ssyncadd.s32 $0xFFFFC000  }
0x18b: {  	[spmem:s3] =	stream.indirect.scatter.add.f32 [tilespmem:s13], [sflag:$0x3], $0x80, s11, s12, $0xb8;
	[tilespmem:$0x1D400] =	vst v63  }
0x18c: {  	_ =	swait.ge [sflag:s16], $0x4000  }
0x18d: {  	[sflag:s16] =	ssyncset.done $0x0  }
0x18e: {  	s25 =	rddreg [dreg:$0x5];
	[sflag:s16] =	ssyncadd.s32 $0xFFFFC000  }
0x18f: {  	[tilespmem:s13], [sflag:$0x1] =	stream.indirect.gather [hbm4b:s5+s12], $0x80, s25, s12, $0xb8;
	[tilespmem:$0x1D400] =	vst v63  }
0x190: {  	_ =	swait.ge [sflag:s17], $0x4000  }
0x191: {  	[sflag:s17] =	ssyncset.done $0x0  }
0x192: {  	s8 =	rddreg [dreg:$0x6];
	[sflag:s17] =	ssyncadd.s32 $0xFFFFC000  }
0x193: {  	[spmem:s3] =	stream.indirect.scatter.add.f32 [tilespmem:s14], [sflag:$0x4], $0x80, s8, s12, $0xb8;
	[tilespmem:$0x1D400] =	vst v63  }
0x194: {  	_ =	swait.ge [sflag:s18], $0x4000  }
0x195: {  	[sflag:s18] =	ssyncset.done $0x0  }
0x196: {  	s9 =	rddreg [dreg:$0x7];
	[sflag:s18] =	ssyncadd.s32 $0xFFFFC000  }
0x197: {  	[tilespmem:s14], [sflag:$0x2] =	stream.indirect.gather [hbm4b:s5+s12], $0x80, s9, s12, $0xb8;
	[tilespmem:$0x1D400] =	vst v63  }
0x198: {  	_ =	swait.ge [sflag:s15], $0x4000  }
0x199: {  	[sflag:s15] =	ssyncset.done $0x0  }
0x19a: {  	s25 =	rddreg [dreg:$0x8];
	[sflag:s15] =	ssyncadd.s32 $0xFFFFC000  }
0x19b: {  	[spmem:s3] =	stream.indirect.scatter.add.f32 [tilespmem:s13], [sflag:$0x3], $0x80, s25, s12, $0xb8;
	[tilespmem:$0x1D400] =	vst v63  }
0x19c: {  	_ =	swait.ge [sflag:s16], $0x4000  }
0x19d: {  	[sflag:s16] =	ssyncset.done $0x0  }
0x19e: {  	s8 =	rddreg [dreg:$0x9];
	[sflag:s16] =	ssyncadd.s32 $0xFFFFC000  }
0x19f: {  	[tilespmem:s13], [sflag:$0x1] =	stream.indirect.gather [hbm4b:s5+s12], $0x80, s8, s12, $0xb8;
	[tilespmem:$0x1D400] =	vst v63  }
0x1a0: {  	_ =	swait.ge [sflag:s17], $0x4000  }
0x1a1: {  	[sflag:s17] =	ssyncset.done $0x0  }
0x1a2: {  	s9 =	rddreg [dreg:$0xa];
	[sflag:s17] =	ssyncadd.s32 $0xFFFFC000  }
0x1a3: {  	[spmem:s3] =	stream.indirect.scatter.add.f32 [tilespmem:s14], [sflag:$0x4], $0x80, s9, s12, $0xb8;
	[tilespmem:$0x1D400] =	vst v63  }
0x1a4: {  	_ =	swait.ge [sflag:s18], $0x4000  }
0x1a5: {  	[sflag:s18] =	ssyncset.done $0x0  }
0x1a6: {  	s25 =	rddreg [dreg:$0xb];
	[sflag:s18] =	ssyncadd.s32 $0xFFFFC000  }
0x1a7: {  	[tilespmem:s14], [sflag:$0x2] =	stream.indirect.gather [hbm4b:s5+s12], $0x80, s25, s12, $0xb8;
	[tilespmem:$0x1D400] =	vst v63  }
0x1a8: {  	_ =	swait.ge [sflag:s15], $0x4000  }
0x1a9: {  	[sflag:s15] =	ssyncset.done $0x0  }
0x1aa: {  	s8 =	rddreg [dreg:$0xc];
	[sflag:s15] =	ssyncadd.s32 $0xFFFFC000  }
0x1ab: {  	[spmem:s3] =	stream.indirect.scatter.add.f32 [tilespmem:s13], [sflag:$0x3], $0x80, s8, s12, $0xb8;
	[tilespmem:$0x1D400] =	vst v63  }
0x1ac: {  	_ =	swait.ge [sflag:s16], $0x4000  }
0x1ad: {  	[sflag:s16] =	ssyncset.done $0x0  }
0x1ae: {  	s9 =	rddreg [dreg:$0xd];
	[sflag:s16] =	ssyncadd.s32 $0xFFFFC000  }
0x1af: {  	[tilespmem:s13], [sflag:$0x1] =	stream.indirect.gather [hbm4b:s5+s12], $0x80, s9, s12, $0xb8;
	[tilespmem:$0x1D400] =	vst v63  }
0x1b0: {  	_ =	swait.ge [sflag:s17], $0x4000  }
0x1b1: {  	[sflag:s17] =	ssyncset.done $0x0  }
0x1b2: {  	s25 =	rddreg [dreg:$0xe];
	[sflag:s17] =	ssyncadd.s32 $0xFFFFC000  }
0x1b3: {  	[spmem:s3] =	stream.indirect.scatter.add.f32 [tilespmem:s14], [sflag:$0x4], $0x80, s25, s12, $0xb8;
	[tilespmem:$0x1D400] =	vst v63  }
0x1b4: {  	_ =	swait.ge [sflag:s18], $0x4000  }
0x1b5: {  	[sflag:s18] =	ssyncset.done $0x0  }
0x1b6: {  	s8 =	rddreg [dreg:$0xf];
	[sflag:s18] =	ssyncadd.s32 $0xFFFFC000  }
0x1b7: {  	[tilespmem:s14], [sflag:$0x2] =	stream.indirect.gather [hbm4b:s5+s12], $0x80, s8, s12, $0xb8;
	[tilespmem:$0x1D400] =	vst v63  }
0x1b8: {  	_ =	swait.ge [sflag:s15], $0x4000  }
0x1b9: {  	[sflag:s15] =	ssyncset.done $0x0  }
0x1ba: {  	s9 =	rddreg [dreg:$0x10];
	[sflag:s15] =	ssyncadd.s32 $0xFFFFC000  }
0x1bb: {  	[spmem:s3] =	stream.indirect.scatter.add.f32 [tilespmem:s13], [sflag:$0x3], $0x80, s9, s12, $0xb8;
	[tilespmem:$0x1D400] =	vst v63  }
0x1bc: {  	_ =	swait.ge [sflag:s16], $0x4000  }
0x1bd: {  	[sflag:s16] =	ssyncset.done $0x0  }
0x1be: {  	s25 =	rddreg [dreg:$0x11];
	[sflag:s16] =	ssyncadd.s32 $0xFFFFC000  }
0x1bf: {  	[tilespmem:s13], [sflag:$0x1] =	stream.indirect.gather [hbm4b:s5+s12], $0x80, s25, s12, $0xb8;
	[tilespmem:$0x1D400] =	vst v63  }
0x1c0: {  	_ =	swait.ge [sflag:s17], $0x4000  }
0x1c1: {  	[sflag:s17] =	ssyncset.done $0x0  }
0x1c2: {  	s8 =	rddreg [dreg:$0x12];
	[sflag:s17] =	ssyncadd.s32 $0xFFFFC000  }
0x1c3: {  	[spmem:s3] =	stream.indirect.scatter.add.f32 [tilespmem:s14], [sflag:$0x4], $0x80, s8, s12, $0xb8;
	[tilespmem:$0x1D400] =	vst v63  }
0x1c4: {  	_ =	swait.ge [sflag:s18], $0x4000  }
0x1c5: {  	[sflag:s18] =	ssyncset.done $0x0  }
0x1c6: {  	s9 =	rddreg [dreg:$0x13];
	[sflag:s18] =	ssyncadd.s32 $0xFFFFC000  }
0x1c7: {  	[tilespmem:s14], [sflag:$0x2] =	stream.indirect.gather [hbm4b:s5+s12], $0x80, s9, s12, $0xb8;
	[tilespmem:$0x1D400] =	vst v63  }
0x1c8: {  	_ =	swait.ge [sflag:s15], $0x4000  }
0x1c9: {  	[sflag:s15] =	ssyncset.done $0x0  }
0x1ca: {  	s25 =	rddreg [dreg:$0x14];
	[sflag:s15] =	ssyncadd.s32 $0xFFFFC000  }
0x1cb: {  	[spmem:s3] =	stream.indirect.scatter.add.f32 [tilespmem:s13], [sflag:$0x3], $0x80, s25, s12, $0xb8;
	[tilespmem:$0x1D400] =	vst v63  }
0x1cc: {  	_ =	swait.ge [sflag:s16], $0x4000  }
0x1cd: {  	[sflag:s16] =	ssyncset.done $0x0  }
0x1ce: {  	s8 =	rddreg [dreg:$0x15];
	[sflag:s16] =	ssyncadd.s32 $0xFFFFC000  }
0x1cf: {  	[tilespmem:s13], [sflag:$0x1] =	stream.indirect.gather [hbm4b:s5+s12], $0x80, s8, s12, $0xb8;
	[tilespmem:$0x1D400] =	vst v63  }
0x1d0: {  	_ =	swait.ge [sflag:s17], $0x4000  }
0x1d1: {  	[sflag:s17] =	ssyncset.done $0x0  }
0x1d2: {  	s9 =	rddreg [dreg:$0x16];
	[sflag:s17] =	ssyncadd.s32 $0xFFFFC000  }
0x1d3: {  	[spmem:s3] =	stream.indirect.scatter.add.f32 [tilespmem:s14], [sflag:$0x4], $0x80, s9, s12, $0xb8;
	[tilespmem:$0x1D400] =	vst v63  }
0x1d4: {  	_ =	swait.ge [sflag:s18], $0x4000  }
0x1d5: {  	[sflag:s18] =	ssyncset.done $0x0  }
0x1d6: {  	s25 =	rddreg [dreg:$0x17];
	[sflag:s18] =	ssyncadd.s32 $0xFFFFC000  }
0x1d7: {  	[tilespmem:s14], [sflag:$0x2] =	stream.indirect.gather [hbm4b:s5+s12], $0x80, s25, s12, $0xb8;
	[tilespmem:$0x1D400] =	vst v63  }
0x1d8: {  	_ =	swait.ge [sflag:s15], $0x4000  }
0x1d9: {  	[sflag:s15] =	ssyncset.done $0x0  }
0x1da: {  	s8 =	rddreg [dreg:$0x18];
	[sflag:s15] =	ssyncadd.s32 $0xFFFFC000  }
0x1db: {  	[spmem:s3] =	stream.indirect.scatter.add.f32 [tilespmem:s13], [sflag:$0x3], $0x80, s8, s12, $0xb8;
	[tilespmem:$0x1D400] =	vst v63  }
0x1dc: {  	_ =	swait.ge [sflag:s16], $0x4000  }
0x1dd: {  	[sflag:s16] =	ssyncset.done $0x0  }
0x1de: {  	s9 =	rddreg [dreg:$0x19];
	[sflag:s16] =	ssyncadd.s32 $0xFFFFC000  }
0x1df: {  	[tilespmem:s13], [sflag:$0x1] =	stream.indirect.gather [hbm4b:s5+s12], $0x80, s9, s12, $0xb8;
	[tilespmem:$0x1D400] =	vst v63  }
0x1e0: {  	_ =	swait.ge [sflag:s17], $0x4000  }
0x1e1: {  	[sflag:s17] =	ssyncset.done $0x0  }
0x1e2: {  	s25 =	rddreg [dreg:$0x1a];
	[sflag:s17] =	ssyncadd.s32 $0xFFFFC000  }
0x1e3: {  	[spmem:s3] =	stream.indirect.scatter.add.f32 [tilespmem:s14], [sflag:$0x4], $0x80, s25, s12, $0xb8;
	[tilespmem:$0x1D400] =	vst v63  }
0x1e4: {  	_ =	swait.ge [sflag:s18], $0x4000  }
0x1e5: {  	[sflag:s18] =	ssyncset.done $0x0  }
0x1e6: {  	[sflag:s18] =	ssyncadd.s32 $0xFFFFC000  }
0x1e7: {  	[tilespmem:s14], [sflag:$0x2] =	stream.indirect.gather [hbm4b:s5+s12], $0x80, s19, s12, $0xb8;
	[tilespmem:$0x1D400] =	vst v63  }
0x1e8: {  	_ =	swait.ge [sflag:s15], $0x4000  }
0x1e9: {  	[sflag:s15] =	ssyncset.done $0x0  }
0x1ea: {  	[sflag:s15] =	ssyncadd.s32 $0xFFFFC000  }
0x1eb: {  	[spmem:s3] =	stream.indirect.scatter.add.f32 [tilespmem:s13], [sflag:$0x3], $0x80, s20, s12, $0xb8;
	[tilespmem:$0x1D400] =	vst v63  }
0x1ec: {  	_ =	swait.ge [sflag:s16], $0x4000  }
0x1ed: {  	[sflag:s16] =	ssyncset.done $0x0  }
0x1ee: {  	[sflag:s16] =	ssyncadd.s32 $0xFFFFC000  }
0x1ef: {  	[tilespmem:s13], [sflag:$0x1] =	stream.indirect.gather [hbm4b:s5+s12], $0x80, s21, s12, $0xb8;
	[tilespmem:$0x1D400] =	vst v63  }
0x1f0: {  	_ =	swait.ge [sflag:s17], $0x4000  }
0x1f1: {  	[sflag:s17] =	ssyncset.done $0x0  }
0x1f2: {  	[sflag:s17] =	ssyncadd.s32 $0xFFFFC000  }
0x1f3: {  	[spmem:s3] =	stream.indirect.scatter.add.f32 [tilespmem:s14], [sflag:$0x4], $0x80, s22, s12, $0xb8;
	[tilespmem:$0x1D400] =	vst v63  }
0x1f4: {  	_ =	swait.ge [sflag:s18], $0x4000  }
0x1f5: {  	[sflag:s18] =	ssyncset.done $0x0  }
0x1f6: {  	[sflag:s18] =	ssyncadd.s32 $0xFFFFC000  }
0x1f7: {  	[tilespmem:s14], [sflag:$0x2] =	stream.indirect.gather [hbm4b:s5+s12], $0x80, s23, s12, $0xb8;
	[tilespmem:$0x1D400] =	vst v63  }
0x1f8: {  	_ =	swait.ge [sflag:s15], $0x4000  }
0x1f9: {  	[sflag:s15] =	ssyncset.done $0x0  }
0x1fa: {  	[sflag:s15] =	ssyncadd.s32 $0xFFFFC000  }
0x1fb: {  	[spmem:s3] =	stream.indirect.scatter.add.f32 [tilespmem:s13], [sflag:$0x3], $0x80, s24, s12, $0xb8;
	[tilespmem:$0x1D400] =	vst v63  }
0x1fc: {  	_ =	swait.ge [sflag:s16], $0x4000  }
0x1fd: {  	[sflag:s16] =	ssyncset.done $0x0  }
0x1fe: {  	[sflag:s16] =	ssyncadd.s32 $0xFFFFC000  }
0x1ff: {  	[tilespmem:s13], [sflag:$0x1] =	stream.indirect.gather [hbm4b:s5+s12], $0x80, s26, s12, $0xb8;
	[tilespmem:$0x1D400] =	vst v63  }
0x200: {  	_ =	swait.ge [sflag:s17], $0x4000  }
0x201: {  	[sflag:s17] =	ssyncset.done $0x0  }
0x202: {  	[sflag:s17] =	ssyncadd.s32 $0xFFFFC000  }
0x203: {  	[spmem:s3] =	stream.indirect.scatter.add.f32 [tilespmem:s14], [sflag:$0x4], $0x80, s28, s12, $0xb8;
	[tilespmem:$0x1D400] =	vst v63  }
0x204: {  	_ =	swait.ge [sflag:s18], $0x4000  }
0x205: {  	[sflag:s18] =	ssyncset.done $0x0  }
0x206: {  	[sflag:s18] =	ssyncadd.s32 $0xFFFFC000  }
0x207: {  	[tilespmem:s14], [sflag:$0x2] =	stream.indirect.gather [hbm4b:s5+s12], $0x80, s29, s12, $0xb8;
	[tilespmem:$0x1D400] =	vst v63  }
0x208: {  	_ =	swait.ge [sflag:s15], $0x4000  }
0x209: {  	[sflag:s15] =	ssyncset.done $0x0  }
0x20a: {  	[sflag:s15] =	ssyncadd.s32 $0xFFFFC000  }
0x20b: {  	[spmem:s3] =	stream.indirect.scatter.add.f32 [tilespmem:s13], [sflag:$0x3], $0x80, s30, s12, $0xb8;
	[tilespmem:$0x1D400] =	vst v63  }
0x20c: {  	_ =	swait.ge [sflag:s16], $0x4000  }
0x20d: {  	[sflag:s16] =	ssyncset.done $0x0  }
0x20e: {  	[sflag:s16] =	ssyncadd.s32 $0xFFFFC000  }
0x20f: {  	[tilespmem:s13], [sflag:$0x1] =	stream.indirect.gather [hbm4b:s5+s12], $0x80, s31, s12, $0xb8;
	[tilespmem:$0x1D400] =	vst v63  }
0x210: {  	_ =	swait.ge [sflag:s17], $0x4000  }
0x211: {  	[sflag:s17] =	ssyncset.done $0x0  }
0x212: {  	[sflag:s17] =	ssyncadd.s32 $0xFFFFC000  }
0x213: {  	[spmem:s3] =	stream.indirect.scatter.add.f32 [tilespmem:s14], [sflag:$0x4], $0x80, s1, s12, $0xb8;
	[tilespmem:$0x1D400] =	vst v63  }
0x214: {  	_ =	swait.ge [sflag:s18], $0x4000  }
0x215: {  	[sflag:s18] =	ssyncset.done $0x0  }
0x216: {  	[sflag:s18] =	ssyncadd.s32 $0xFFFFC000  }
0x217: {  	[tilespmem:s14], [sflag:$0x2] =	stream.indirect.gather [hbm4b:s5+s12], $0x80, s0, s12, $0xb8;
	[tilespmem:$0x1D400] =	vst v63  }
0x218: {  	_ =	swait.ge [sflag:s15], $0x4000  }
0x219: {  	[sflag:s15] =	ssyncset.done $0x0  }
0x21a: {  	[sflag:s15] =	ssyncadd.s32 $0xFFFFC000  }
0x21b: {  	[spmem:s3] =	stream.indirect.scatter.add.f32 [tilespmem:s13], [sflag:$0x3], $0x80, s2, s12, $0xb8;
	[tilespmem:$0x1D400] =	vst v63  }
0x21c: {  	_ =	swait.ge [sflag:s17], $0x4000  }
0x21d: {  	[sflag:s17] =	ssyncset.done $0x0  }
0x21e: {  	[sflag:s17] =	ssyncadd.s32 $0xFFFFC000  }
0x21f: {  	[spmem:s3] =	stream.indirect.scatter.add.f32 [tilespmem:s14], [sflag:$0x4], $0x80, s7, s12, $0xb8;
	[tilespmem:$0x1D400] =	vst v63  }
0x220: {  	_ =	swait.ge [sflag:s16], $0x4000  }
0x221: {  	[sflag:s16] =	ssyncset.done $0x0  }
0x222: {  	[sflag:s16] =	ssyncadd.s32 $0xFFFFC000  }
0x223: {  	_ =	swait.ge [sflag:s18], $0x4000  }
0x224: {  	[sflag:s18] =	ssyncset.done $0x0  }
0x225: {  	[sflag:s18] =	ssyncadd.s32 $0xFFFFC000  }
0x226: {  	[bflag:$0x0] =	sbarrier.arrive $0xFFFF  }
0x227: {  	s9 =	rddreg [dreg:$0x1b]  }
0x228: {  	s6 =	rddreg [dreg:$0x1c]  }
0x229: {  	s8 =	rddreg [dreg:$0x1f]  }
0x22a: {  	[hbm:s6], [sflag:s9] =	dma.local @!p0 [spmem:s8], $0x3E80  }
0x22b: {  	s6 =	simm.s32 @!p0 $0x5  }
0x22c: {  	_ =	swait.ge @!p0 [sflag:s6], $0x3E80  }
0x22d: {  	s25 =	sld [smem:$0x7FD];
	_ =	sdelay $0x2  }
0x22e: {  	s8 =	rddreg [dreg:$0x1d];
	s25 =	sadd.s32 $0x1, s25  }
0x22f: {  	p1 =	sne.s32 s25, s8  }
.Ltmp1:
0x230: {  	_ = 	snop;
	(pc) =	sbr.rel @p1 .LBB2_1-.Ltmp1, $3  }
0x231: {  	_ =	sdelay $0x1  }
0x232: {  	[sflag:s6] =	ssyncset.done @!p0 $0x0  }
0x233: {  	[sflag:s6] =	ssyncadd.s32 @!p0 $0xFFFFC180  }
0x234: {  	_ =	sfence.sel $0x180000  }
0x235: {  	[bflag:$0x0] =	sbarrier.arrive $0xFFFF  }
0x236: {  	_ =	strace $0x90000047  }
0x237: {  	s0 =	stileid.u32;
	[bflag:$0x2] =	sbarrier.arrive $0xFFFF  }
0x238: {  	p0 =	sne.s32 s0, $0x0;
	s0 =	rddreg [dreg:$0x3]  }
0x239: {  	s0 =	sadd.s32 @!p0 $0x100000, s0  }
0x23a: {  	[sflag:s0] =	ssyncadd.tile.s32 @!p0 $0x1;
	_ =	shalt  }
.Lfunc_end2:
_tile_overlayer_lowered:
.L_overlay_start_2:
0x23b: {  	(tag) =	ssettag $0x2  }
0x23c: {  	s0 =	rddreg [dreg:$0x0];
	s2 =	stileid.u32  }
0x23d: {  	s1 =	rddreg [dreg:$0x1];
	p0 =	sne.s32 s2, $0x0  }
0x23e: {  	s3 =	rddreg [dreg:$0x2];
	[bflag:$0x3] =	sbarrier.arrive $0xFFFF;
	s2 =	simm.s32 @!p0 $0x1C05  }
0x23f: {  	[timem:s3], [sflag:s2] =	dma.local @!p0 [hbm:s0], s1  }
0x240: {  	s0 =	simm.s32 @!p0 $0x5  }
0x241: {  	_ =	swait.ge @!p0 [sflag:s0], s1  }
0x242: {  	s1 =	ssub.s32 @!p0 $0x0, s1;
	[sflag:s0] =	ssyncset.done @!p0 $0x0  }
0x243: {  	[sflag:s0] =	ssyncadd.s32 @!p0 s1  }
0x244: {  	[bflag:$0x3] =	sbarrier.arrive $0xFFFF  }
0x245: {  	_ =	shalt  }

</sc_bundles>
